<compile_context>
chip_gen: v7x
topology: tpu7x:2x2x1
jax: 0.10.2.dev20260603
libtpu: 0.0.44.dev20260713+nightly
codegen_flags: <defaults>
</compile_context>

<pallas_src>
import functools

import jax
import jax.numpy as jnp
from jax import lax
from jax.experimental import pallas as pl
from jax.experimental.pallas import tpu as pltpu
from jax.experimental.pallas import tpu_sc as plsc

N = 10000
E = 320000
D = 128

NC = 2
NS = 16
NW = NC * NS

EPT = E // NW
C = 40
NCHUNK = EPT // C

RCHUNK = C
NROWCH = N // RCHUNK

NBUF = 7
NOUT = NCHUNK // NBUF


def _mask_body(h_ref, f_ref, e_ref, hm_ref, src_ref, dst_ref):
    hm_ref[...] = h_ref[...] * f_ref[...]
    src_ref[...] = e_ref[0, :]
    dst_ref[...] = e_ref[1, :]


def _masked_rows(H, frag_col, edge_index_i32):
    grid = 5
    blk = N // grid
    eblk = 65536
    return pl.pallas_call(
        _mask_body,
        grid=(grid,),
        in_specs=[
            pl.BlockSpec((blk, D), lambda i: (i, 0)),
            pl.BlockSpec((blk, 1), lambda i: (i, 0)),
            pl.BlockSpec((2, eblk), lambda i: (0, i)),
        ],
        out_specs=[
            pl.BlockSpec((blk, D), lambda i: (i, 0)),
            pl.BlockSpec((eblk,), lambda i: (i,)),
            pl.BlockSpec((eblk,), lambda i: (i,)),
        ],
        out_shape=[
            jax.ShapeDtypeStruct((N, D), jnp.float32),
            jax.ShapeDtypeStruct((E,), jnp.int32),
            jax.ShapeDtypeStruct((E,), jnp.int32),
        ],
    )(H, frag_col, edge_index_i32)


def _sc_body(hm_hbm, src_hbm, dst_hbm, out_hbm,
             acc, r0, r1, r2, r3, r4, r5, r6, d0, d1, d2, d3, d4, d5, d6,
             sidx_all, isem, gsem, ssem):
    rows = [r0, r1, r2, r3, r4, r5, r6]
    didx = [d0, d1, d2, d3, d4, d5, d6]
    rbuf = rows[0]
    cid = lax.axis_index("c")
    sid = lax.axis_index("s")
    wid = cid * NS + sid
    base = wid * EPT

    def _zero_vec(i, _):
        r = i // (D // 16)
        c = i % (D // 16)
        rbuf[r, pl.ds(c * 16, 16)] = jnp.zeros((16,), jnp.float32)
        return _
    lax.fori_loop(0, RCHUNK * (D // 16), _zero_vec, None)

    def _zero_fire(j, _):
        k = sid + j * NS
        @pl.when(k < NROWCH)
        def _():
            pltpu.async_copy(rbuf, acc.at[pl.ds(k * RCHUNK, RCHUNK), :],
                             gsem.at[0])
        return _
    lax.fori_loop(0, (NROWCH + NS - 1) // NS, _zero_fire, None)

    def _zero_drain(j, _):
        k = sid + j * NS
        @pl.when(k < NROWCH)
        def _():
            pltpu.make_async_copy(
                rbuf, acc.at[pl.ds(k * RCHUNK, RCHUNK), :],
                gsem.at[0]).wait()
        return _
    lax.fori_loop(0, (NROWCH + NS - 1) // NS, _zero_drain, None)

    pltpu.sync_copy(src_hbm.at[pl.ds(base, EPT)], sidx_all)
    plsc.subcore_barrier()

    def _fire_didx(g, b):
        pltpu.async_copy(dst_hbm.at[pl.ds(base + g * C, C)], didx[b],
                         isem.at[b])

    def _wait_didx(b):
        pltpu.make_async_copy(
            dst_hbm.at[pl.ds(0, C)], didx[b], isem.at[b]).wait()

    def _fire_gather(g, b):
        pltpu.async_copy(
            hm_hbm.at[sidx_all.at[pl.ds(g * C, C)]], rows[b], gsem.at[b])

    def _wait_gather(g, b):
        pltpu.make_async_copy(
            hm_hbm.at[sidx_all.at[pl.ds(g * C, C)]], rows[b],
            gsem.at[b]).wait()

    def _fire_scatter(b):
        pltpu.async_copy(rows[b], acc.at[didx[b]], ssem.at[b], add=True)

    def _wait_scatter(b):
        pltpu.make_async_copy(
            rows[b], acc.at[didx[b]], ssem.at[b]).wait()

    for b in range(NBUF):
        _fire_didx(b, b)
        _fire_gather(b, b)

    def _outer(t, _):
        for b in range(NBUF):
            _wait_gather(t * NBUF + b, b)
            _wait_didx(b)
            _fire_scatter(b)
        for b in range(NBUF):
            g2 = (t + 1) * NBUF + b
            @pl.when(g2 < NCHUNK)
            def _():
                _wait_scatter(b)
                _fire_didx(g2, b)
                _fire_gather(g2, b)
        return _
    lax.fori_loop(0, NOUT, _outer, None)

    for b in range(NCHUNK - NOUT * NBUF):
        _wait_gather(NOUT * NBUF + b, b)
        _wait_didx(b)
        _fire_scatter(b)
    for b in range(NBUF):
        _wait_scatter(b)
    plsc.subcore_barrier()

    def _dump_fire(j, _):
        k = sid + j * NS
        @pl.when(k < NROWCH)
        def _():
            rr = k * RCHUNK
            pltpu.async_copy(acc.at[pl.ds(rr, RCHUNK), :],
                             out_hbm.at[cid, pl.ds(rr, RCHUNK), :],
                             gsem.at[0])
        return _
    lax.fori_loop(0, (NROWCH + NS - 1) // NS, _dump_fire, None)

    def _dump_drain(j, _):
        k = sid + j * NS
        @pl.when(k < NROWCH)
        def _():
            rr = k * RCHUNK
            pltpu.make_async_copy(
                acc.at[pl.ds(rr, RCHUNK), :],
                out_hbm.at[cid, pl.ds(rr, RCHUNK), :], gsem.at[0]).wait()
        return _
    lax.fori_loop(0, (NROWCH + NS - 1) // NS, _dump_drain, None)


def _sc_scatter(Hm, src_i32, dst_i32):
    mesh = plsc.VectorSubcoreMesh(core_axis_name="c", subcore_axis_name="s")
    f = functools.partial(
        pl.kernel,
        out_type=jax.ShapeDtypeStruct((NC, N, D), jnp.float32),
        mesh=mesh,
        scratch_types=[
            pltpu.VMEM_SHARED((N, D), jnp.float32),
        ] + [pltpu.VMEM((C, D), jnp.float32)] * NBUF + [
        ] + [pltpu.VMEM((C,), jnp.int32)] * NBUF + [
            pltpu.VMEM((EPT,), jnp.int32),
            pltpu.SemaphoreType.DMA((NBUF,)),
            pltpu.SemaphoreType.DMA((NBUF,)),
            pltpu.SemaphoreType.DMA((NBUF,)),
        ],
    )(_sc_body)
    return f(Hm, src_i32, dst_i32)


def _finish_body(h_ref, f_ref, p0_ref, p1_ref, w_ref, out_ref):
    agg = p0_ref[0] + p1_ref[0]
    y = lax.dot_general(agg, w_ref[...], (((1,), (1,)), ((), ())),
                        preferred_element_type=jnp.float32)
    out_ref[...] = h_ref[...] + f_ref[...] * y


def _finish(H, frag_col, P, W):
    grid = 5
    blk = N // grid
    return pl.pallas_call(
        _finish_body,
        grid=(grid,),
        in_specs=[
            pl.BlockSpec((blk, D), lambda i: (i, 0)),
            pl.BlockSpec((blk, 1), lambda i: (i, 0)),
            pl.BlockSpec((1, blk, D), lambda i: (0, i, 0)),
            pl.BlockSpec((1, blk, D), lambda i: (1, i, 0)),
            pl.BlockSpec((D, D), lambda i: (0, 0)),
        ],
        out_specs=pl.BlockSpec((blk, D), lambda i: (i, 0)),
        out_shape=jax.ShapeDtypeStruct((N, D), jnp.float32),
    )(H, frag_col, P, P, W)


def kernel(H, edge_index, frag_mask, W):
    frag_col = frag_mask.reshape(N, 1).astype(jnp.float32)
    ei = edge_index.astype(jnp.int32)
    Hm, src, dst = _masked_rows(H, frag_col, ei)
    P = _sc_scatter(Hm, src, dst)
    return _finish(H, frag_col, P, W)

# --- scband reference (transcript-rebuilt; emitter-appended) ---
"""Pipeline reference for scband-hpgfrag-graph-layer-74148315398341 (READ-ONLY COPY).

The authoritative reference and input builder live on the scoring server;
editing this copy changes nothing except your own understanding.
"""

import jax, jax.numpy as jnp
import numpy as np

N = 10000
E = 320000
D = 128

def setup_inputs(seed: int = 0) -> dict:
    key = jax.random.key(seed)
    k1, k2, k3, k4 = jax.random.split(key, 4)
    H = jax.random.normal(k1, (N, D), dtype=jnp.float32)
    edge_index = jax.random.randint(k2, (2, E), 0, N, dtype=jnp.int64)
    frag_mask = jax.random.randint(k3, (N,), 0, 2).astype(bool)
    # Linear(d_h, d_h, bias=False) weight [d_h, d_h]. The torch module zero-inits W;
    # we use small random values so the kernel does nontrivial work.
    W = jax.random.normal(k4, (D, D), dtype=jnp.float32) * 0.01
    return {"H": H, "edge_index": edge_index, "frag_mask": frag_mask, "W": W}

def reference(H, edge_index, frag_mask, W):
    src = edge_index[0]
    dst = edge_index[1]
    # fragment-fragment edges: both endpoints are fragment nodes
    is_ff = frag_mask[src] & frag_mask[dst]
    # gather source embeddings, apply linear W (x @ W.T, no bias)
    msgs = jnp.take(H, src, axis=0) @ W.T
    # mask out non-fragment-fragment edges (equivalent to torch's index filtering)
    msgs = msgs * is_ff[:, None].astype(msgs.dtype)
    # scatter-add into destination nodes
    aggregated = jnp.zeros_like(H).at[dst].add(msgs)
    return H + aggregated

if __name__ == "__main__":
    import jax
    _d = setup_inputs()
    print(jax.jit(kernel)(*tuple(_d.values())))

</pallas_src>

<mosaic_0001>
#map = affine_map<(d0, d1) -> (0, 0)>
#map1 = affine_map<(d0, d1) -> (0)>
#map2 = affine_map<(d0, d1) -> (0, 0, 0)>
module attributes {stable_mosaic.version = 14 : i64} {
  func.func @_sc_body(%arg0: i32, %arg1: i32, %arg2: memref<10000x128xf32, #tpu.memory_space<hbm>>, %arg3: memref<320000xi32, #tpu.memory_space<hbm>>, %arg4: memref<320000xi32, #tpu.memory_space<hbm>>, %arg5: memref<2x10000x128xf32, #tpu.memory_space<hbm>>, %arg6: memref<10000x128xf32, #tpu.memory_space<vmem_shared>>, %arg7: memref<40x128xf32, #tpu.memory_space<vmem>>, %arg8: memref<40x128xf32, #tpu.memory_space<vmem>>, %arg9: memref<40x128xf32, #tpu.memory_space<vmem>>, %arg10: memref<40x128xf32, #tpu.memory_space<vmem>>, %arg11: memref<40x128xf32, #tpu.memory_space<vmem>>, %arg12: memref<40x128xf32, #tpu.memory_space<vmem>>, %arg13: memref<40x128xf32, #tpu.memory_space<vmem>>, %arg14: memref<40xi32, #tpu.memory_space<vmem>>, %arg15: memref<40xi32, #tpu.memory_space<vmem>>, %arg16: memref<40xi32, #tpu.memory_space<vmem>>, %arg17: memref<40xi32, #tpu.memory_space<vmem>>, %arg18: memref<40xi32, #tpu.memory_space<vmem>>, %arg19: memref<40xi32, #tpu.memory_space<vmem>>, %arg20: memref<40xi32, #tpu.memory_space<vmem>>, %arg21: memref<10000xi32, #tpu.memory_space<vmem>>, %arg22: memref<7x!tpu.dma_semaphore, #tpu.memory_space<semaphore_mem>>, %arg23: memref<7x!tpu.dma_semaphore, #tpu.memory_space<semaphore_mem>>, %arg24: memref<7x!tpu.dma_semaphore, #tpu.memory_space<semaphore_mem>>) attributes {dimension_semantics = [#tpu.dimension_semantics<core_parallel>, #tpu.dimension_semantics<subcore_parallel>], iteration_bounds = array<i64: 2, 16>, scalar_prefetch = 0 : i64, scratch_operands = 19 : i64, tpu.core_type = #tpu.core_type<sc_vector_subcore>, window_params = [{transform_indices = #map}, {transform_indices = #map1}, {transform_indices = #map1}, {transform_indices = #map2}]} {
    %mul3A = arith.constant 16 : i32
    %mul3A_0 = arith.muli %arg0, %mul3A : i32
    %add3A = arith.addi %mul3A_0, %arg1 : i32
    %mul3A_1 = arith.constant 10000 : i32
    %mul3A_2 = arith.muli %add3A, %mul3A_1 : i32
    %scan3A = arith.constant 0 : i32
    %scan3A_3 = arith.constant 320 : i32
    %scan3A_4 = arith.addi %scan3A, %scan3A_3 : i32
    %scan3A_5 = arith.constant 1 : i32
    scf.for %scan3A_283 = %scan3A to %scan3A_4 step %scan3A_5  : i32 {
      %jit3A = arith.constant 8 : i32
      %div3A = arith.divsi %scan3A_283, %jit3A : i32
      %sign3A = arith.constant 0 : i32
      %sign3A_284 = arith.cmpi sgt, %scan3A_283, %sign3A : i32
      %sign3A_285 = arith.extui %sign3A_284 : i1 to i32
      %sign3A_286 = arith.constant 0 : i32
      %sign3A_287 = arith.cmpi slt, %scan3A_283, %sign3A_286 : i32
      %sign3A_288 = arith.extui %sign3A_287 : i1 to i32
      %sign3A_289 = arith.subi %sign3A_285, %sign3A_288 : i32
      %sign3A_290 = arith.constant 0 : i32
      %sign3A_291 = arith.cmpi sgt, %jit3A, %sign3A_290 : i32
      %sign3A_292 = arith.extui %sign3A_291 : i1 to i32
      %sign3A_293 = arith.constant 0 : i32
      %sign3A_294 = arith.cmpi slt, %jit3A, %sign3A_293 : i32
      %sign3A_295 = arith.extui %sign3A_294 : i1 to i32
      %sign3A_296 = arith.subi %sign3A_292, %sign3A_295 : i32
      %ne3A = arith.cmpi ne, %sign3A_289, %sign3A_296 : i32
      %rem3A = arith.remsi %scan3A_283, %jit3A : i32
      %ne3A_297 = arith.constant 0 : i32
      %ne3A_298 = arith.cmpi ne, %rem3A, %ne3A_297 : i32
      %and3A = arith.andi %ne3A, %ne3A_298 : i1
      %sub3A = arith.constant 1 : i32
      %sub3A_299 = arith.subi %div3A, %sub3A : i32
      %select_n3A = arith.select %and3A, %sub3A_299, %div3A : i32
      %jit3A_300 = arith.constant 8 : i32
      %eq3A = arith.constant 0 : i32
      %eq3A_301 = arith.cmpi eq, %jit3A_300, %eq3A : i32
      %jit3A_302 = arith.constant 1 : i32
      %select_n3A_303 = arith.select %eq3A_301, %jit3A_302, %jit3A_300 : i32
      %rem3A_304 = arith.remsi %scan3A_283, %select_n3A_303 : i32
      %ne3A_305 = arith.constant 0 : i32
      %ne3A_306 = arith.cmpi ne, %rem3A_304, %ne3A_305 : i32
      %lt3A = arith.constant 0 : i32
      %lt3A_307 = arith.cmpi slt, %rem3A_304, %lt3A : i32
      %lt3A_308 = arith.constant 0 : i32
      %lt3A_309 = arith.cmpi slt, %select_n3A_303, %lt3A_308 : i32
      %ne3A_310 = arith.xori %lt3A_307, %lt3A_309 : i1
      %and3A_311 = arith.andi %ne3A_310, %ne3A_306 : i1
      %add3A_312 = arith.addi %rem3A_304, %select_n3A_303 : i32
      %select_n3A_313 = arith.select %and3A_311, %add3A_312, %rem3A_304 : i32
      %broadcast_in_dim3A = arith.constant 0.000000e+00 : f32
      %broadcast_in_dim3A_314 = vector.broadcast %broadcast_in_dim3A : f32 to vector<16xf32>
      %mul3A_315 = arith.constant 16 : i32
      %mul3A_316 = arith.muli %select_n3A_313, %mul3A_315 : i32
      %swap3A = arith.index_cast %select_n3A : i32 to index
      %swap3A_317 = arith.index_cast %mul3A_316 : i32 to index
      %swap3A_318 = tpu.vector_load %arg7[%swap3A, %swap3A_317] {strides = array<i32>} : memref<40x128xf32, #tpu.memory_space<vmem>>, vector<1x16xf32>,
      %swap3A_319 = vector.shape_cast %swap3A_318 : vector<1x16xf32> to vector<16xf32>
      %swap3A_320 = vector.shape_cast %broadcast_in_dim3A_314 : vector<16xf32> to vector<1x16xf32>
      tpu.vector_store %arg7[%swap3A, %swap3A_317], %swap3A_320 {strides = array<i32>} : memref<40x128xf32, #tpu.memory_space<vmem>>, vector<1x16xf32>,
    }
    %scan3A_6 = arith.constant 320 : i32
    %scan3A_7 = arith.constant 0 : i32
    %scan3A_8 = arith.constant 16 : i32
    %scan3A_9 = arith.addi %scan3A_7, %scan3A_8 : i32
    %scan3A_10 = arith.constant 1 : i32
    scf.for %scan3A_283 = %scan3A_7 to %scan3A_9 step %scan3A_10  : i32 {
      %mul3A_284 = arith.constant 16 : i32
      %mul3A_285 = arith.muli %scan3A_283, %mul3A_284 : i32
      %add3A_286 = arith.addi %arg1, %mul3A_285 : i32
      %lt3A = arith.constant 250 : i32
      %lt3A_287 = arith.cmpi slt, %add3A_286, %lt3A : i32
      %convert_element_type3A = arith.extui %lt3A_287 : i1 to i32
      %cond3A = arith.constant 0 : i32
      %cond3A_288 = arith.cmpi ne, %convert_element_type3A, %cond3A : i32
      scf.if %cond3A_288 {
        %mul3A_289 = arith.constant 40 : i32
        %mul3A_290 = arith.muli %add3A_286, %mul3A_289 : i32
        %dma_start3A_291 = arith.constant 0 : i32
        %dma_start3A_292 = arith.constant 0 : i32
        %dma_start3A_293 = tpu.memref_slice %arg6[%mul3A_290, %dma_start3A_292] : memref<10000x128xf32, #tpu.memory_space<vmem_shared>> -> memref<40x128xf32, #tpu.memory_space<vmem_shared>>
        %dma_start3A_294 = tpu.memref_slice %arg23[%dma_start3A_291] : memref<7x!tpu.dma_semaphore, #tpu.memory_space<semaphore_mem>> -> memref<1x!tpu.dma_semaphore, #tpu.memory_space<semaphore_mem>>
        %dma_start3A_295 = tpu.memref_squeeze %dma_start3A_294 : memref<1x!tpu.dma_semaphore, #tpu.memory_space<semaphore_mem>> -> memref<!tpu.dma_semaphore, #tpu.memory_space<semaphore_mem>>
        %dma_start3A_296 = arith.constant 0 : i32
        %dma_start3A_297 = tpu.memref_slice %arg6[%mul3A_290, %dma_start3A_296] : memref<10000x128xf32, #tpu.memory_space<vmem_shared>> -> memref<40x128xf32, #tpu.memory_space<vmem_shared>>
        tpu.enqueue_dma source(%arg7 : memref<40x128xf32, #tpu.memory_space<vmem>>) target(%dma_start3A_297 : memref<40x128xf32, #tpu.memory_space<vmem_shared>>) target_semaphore(%dma_start3A_295 : memref<!tpu.dma_semaphore, #tpu.memory_space<semaphore_mem>>)
      } else {
      }
    }
    %scan3A_11 = arith.constant 16 : i32
    %scan3A_12 = arith.constant 0 : i32
    %scan3A_13 = arith.constant 16 : i32
    %scan3A_14 = arith.addi %scan3A_12, %scan3A_13 : i32
    %scan3A_15 = arith.constant 1 : i32
    scf.for %scan3A_283 = %scan3A_12 to %scan3A_14 step %scan3A_15  : i32 {
      %mul3A_284 = arith.constant 16 : i32
      %mul3A_285 = arith.muli %scan3A_283, %mul3A_284 : i32
      %add3A_286 = arith.addi %arg1, %mul3A_285 : i32
      %lt3A = arith.constant 250 : i32
      %lt3A_287 = arith.cmpi slt, %add3A_286, %lt3A : i32
      %convert_element_type3A = arith.extui %lt3A_287 : i1 to i32
      %cond3A = arith.constant 0 : i32
      %cond3A_288 = arith.cmpi ne, %convert_element_type3A, %cond3A : i32
      scf.if %cond3A_288 {
        %mul3A_289 = arith.constant 40 : i32
        %mul3A_290 = arith.muli %add3A_286, %mul3A_289 : i32
        %dma_wait3A_291 = arith.constant 0 : i32
        %dma_wait3A_292 = arith.constant 0 : i32
        %dma_wait3A_293 = tpu.memref_slice %arg6[%mul3A_290, %dma_wait3A_292] : memref<10000x128xf32, #tpu.memory_space<vmem_shared>> -> memref<40x128xf32, #tpu.memory_space<vmem_shared>>
        %dma_wait3A_294 = tpu.memref_slice %arg23[%dma_wait3A_291] : memref<7x!tpu.dma_semaphore, #tpu.memory_space<semaphore_mem>> -> memref<1x!tpu.dma_semaphore, #tpu.memory_space<semaphore_mem>>
        %dma_wait3A_295 = tpu.memref_squeeze %dma_wait3A_294 : memref<1x!tpu.dma_semaphore, #tpu.memory_space<semaphore_mem>> -> memref<!tpu.dma_semaphore, #tpu.memory_space<semaphore_mem>>
        %dma_wait3A_296 = arith.constant 0 : i32
        %dma_wait3A_297 = tpu.memref_slice %arg6[%mul3A_290, %dma_wait3A_296] : memref<10000x128xf32, #tpu.memory_space<vmem_shared>> -> memref<40x128xf32, #tpu.memory_space<vmem_shared>>
        tpu.wait_dma2 semaphore(%dma_wait3A_295 : memref<!tpu.dma_semaphore, #tpu.memory_space<semaphore_mem>>) src(%arg7 : memref<40x128xf32, #tpu.memory_space<vmem>>) dst(%dma_wait3A_297 : memref<40x128xf32, #tpu.memory_space<vmem_shared>>)
      } else {
      }
    }
    %scan3A_16 = arith.constant 16 : i32
    "tpu.region"() ({
      %run_scoped3A = tpu.sem_alloc : memref<!tpu.dma_semaphore, #tpu.memory_space<semaphore_mem>>
      %dma_start3A_283 = tpu.memref_slice %arg3[%mul3A_2] : memref<320000xi32, #tpu.memory_space<hbm>> -> memref<10000xi32, #tpu.memory_space<hbm>>
      %dma_start3A_284 = tpu.memref_slice %arg3[%mul3A_2] : memref<320000xi32, #tpu.memory_space<hbm>> -> memref<10000xi32, #tpu.memory_space<hbm>>
      tpu.enqueue_dma source(%dma_start3A_284 : memref<10000xi32, #tpu.memory_space<hbm>>) target(%arg21 : memref<10000xi32, #tpu.memory_space<vmem>>) target_semaphore(%run_scoped3A : memref<!tpu.dma_semaphore, #tpu.memory_space<semaphore_mem>>)
      %dma_wait3A_285 = tpu.memref_slice %arg3[%mul3A_2] : memref<320000xi32, #tpu.memory_space<hbm>> -> memref<10000xi32, #tpu.memory_space<hbm>>
      %dma_wait3A_286 = tpu.memref_slice %arg3[%mul3A_2] : memref<320000xi32, #tpu.memory_space<hbm>> -> memref<10000xi32, #tpu.memory_space<hbm>>
      tpu.wait_dma2 semaphore(%run_scoped3A : memref<!tpu.dma_semaphore, #tpu.memory_space<semaphore_mem>>) src(%dma_wait3A_286 : memref<10000xi32, #tpu.memory_space<hbm>>) dst(%arg21 : memref<10000xi32, #tpu.memory_space<vmem>>)
      tpu.yield
    }) : () -> ()
    %barrier3A = arith.constant 0 : index
    tpu.barrier barrier_id(%barrier3A)
    %add3A_17 = arith.constant 0 : i32
    %add3A_18 = arith.addi %mul3A_2, %add3A_17 : i32
    %dma_start3A = arith.constant 0 : i32
    %dma_start3A_19 = tpu.memref_slice %arg4[%add3A_18] : memref<320000xi32, #tpu.memory_space<hbm>> -> memref<40xi32, #tpu.memory_space<hbm>>
    %dma_start3A_20 = tpu.memref_slice %arg22[%dma_start3A] : memref<7x!tpu.dma_semaphore, #tpu.memory_space<semaphore_mem>> -> memref<1x!tpu.dma_semaphore, #tpu.memory_space<semaphore_mem>>
    %dma_start3A_21 = tpu.memref_squeeze %dma_start3A_20 : memref<1x!tpu.dma_semaphore, #tpu.memory_space<semaphore_mem>> -> memref<!tpu.dma_semaphore, #tpu.memory_space<semaphore_mem>>
    %dma_start3A_22 = tpu.memref_slice %arg4[%add3A_18] : memref<320000xi32, #tpu.memory_space<hbm>> -> memref<40xi32, #tpu.memory_space<hbm>>
    tpu.enqueue_dma source(%dma_start3A_22 : memref<40xi32, #tpu.memory_space<hbm>>) target(%arg14 : memref<40xi32, #tpu.memory_space<vmem>>) target_semaphore(%dma_start3A_21 : memref<!tpu.dma_semaphore, #tpu.memory_space<semaphore_mem>>)
    %dma_start3A_23 = arith.constant 0 : i32
    %dma_start3A_24 = arith.constant 0 : i32
    %dma_start3A_25 = tpu.memref_slice %arg21[%dma_start3A_24] : memref<10000xi32, #tpu.memory_space<vmem>> -> memref<40xi32, #tpu.memory_space<vmem>>
    %dma_start3A_26 = arith.constant 0 : i32
    %dma_start3A_27 = arith.constant 0 : i32
    %dma_start3A_28 = tpu.memref_slice %arg2[%dma_start3A_26, %dma_start3A_27] : memref<10000x128xf32, #tpu.memory_space<hbm>> -> memref<10000x128xf32, #tpu.memory_space<hbm>>
    %dma_start3A_29 = tpu.memref_slice %arg23[%dma_start3A_23] : memref<7x!tpu.dma_semaphore, #tpu.memory_space<semaphore_mem>> -> memref<1x!tpu.dma_semaphore, #tpu.memory_space<semaphore_mem>>
    %dma_start3A_30 = tpu.memref_squeeze %dma_start3A_29 : memref<1x!tpu.dma_semaphore, #tpu.memory_space<semaphore_mem>> -> memref<!tpu.dma_semaphore, #tpu.memory_space<semaphore_mem>>
    tpu.enqueue_indirect_dma source(%dma_start3A_28 : memref<10000x128xf32, #tpu.memory_space<hbm>>) target(%arg7 : memref<40x128xf32, #tpu.memory_space<vmem>>) offsets(%dma_start3A_25 : memref<40xi32, #tpu.memory_space<vmem>>) semaphore(%dma_start3A_30 : memref<!tpu.dma_semaphore, #tpu.memory_space<semaphore_mem>>)
    %add3A_31 = arith.constant 40 : i32
    %add3A_32 = arith.addi %mul3A_2, %add3A_31 : i32
    %dma_start3A_33 = arith.constant 1 : i32
    %dma_start3A_34 = tpu.memref_slice %arg4[%add3A_32] : memref<320000xi32, #tpu.memory_space<hbm>> -> memref<40xi32, #tpu.memory_space<hbm>>
    %dma_start3A_35 = tpu.memref_slice %arg22[%dma_start3A_33] : memref<7x!tpu.dma_semaphore, #tpu.memory_space<semaphore_mem>> -> memref<1x!tpu.dma_semaphore, #tpu.memory_space<semaphore_mem>>
    %dma_start3A_36 = tpu.memref_squeeze %dma_start3A_35 : memref<1x!tpu.dma_semaphore, #tpu.memory_space<semaphore_mem>> -> memref<!tpu.dma_semaphore, #tpu.memory_space<semaphore_mem>>
    %dma_start3A_37 = tpu.memref_slice %arg4[%add3A_32] : memref<320000xi32, #tpu.memory_space<hbm>> -> memref<40xi32, #tpu.memory_space<hbm>>
    tpu.enqueue_dma source(%dma_start3A_37 : memref<40xi32, #tpu.memory_space<hbm>>) target(%arg15 : memref<40xi32, #tpu.memory_space<vmem>>) target_semaphore(%dma_start3A_36 : memref<!tpu.dma_semaphore, #tpu.memory_space<semaphore_mem>>)
    %dma_start3A_38 = arith.constant 1 : i32
    %dma_start3A_39 = arith.constant 40 : i32
    %dma_start3A_40 = tpu.memref_slice %arg21[%dma_start3A_39] : memref<10000xi32, #tpu.memory_space<vmem>> -> memref<40xi32, #tpu.memory_space<vmem>>
    %dma_start3A_41 = arith.constant 0 : i32
    %dma_start3A_42 = arith.constant 0 : i32
    %dma_start3A_43 = tpu.memref_slice %arg2[%dma_start3A_41, %dma_start3A_42] : memref<10000x128xf32, #tpu.memory_space<hbm>> -> memref<10000x128xf32, #tpu.memory_space<hbm>>
    %dma_start3A_44 = tpu.memref_slice %arg23[%dma_start3A_38] : memref<7x!tpu.dma_semaphore, #tpu.memory_space<semaphore_mem>> -> memref<1x!tpu.dma_semaphore, #tpu.memory_space<semaphore_mem>>
    %dma_start3A_45 = tpu.memref_squeeze %dma_start3A_44 : memref<1x!tpu.dma_semaphore, #tpu.memory_space<semaphore_mem>> -> memref<!tpu.dma_semaphore, #tpu.memory_space<semaphore_mem>>
    tpu.enqueue_indirect_dma source(%dma_start3A_43 : memref<10000x128xf32, #tpu.memory_space<hbm>>) target(%arg8 : memref<40x128xf32, #tpu.memory_space<vmem>>) offsets(%dma_start3A_40 : memref<40xi32, #tpu.memory_space<vmem>>) semaphore(%dma_start3A_45 : memref<!tpu.dma_semaphore, #tpu.memory_space<semaphore_mem>>)
    %add3A_46 = arith.constant 80 : i32
    %add3A_47 = arith.addi %mul3A_2, %add3A_46 : i32
    %dma_start3A_48 = arith.constant 2 : i32
    %dma_start3A_49 = tpu.memref_slice %arg4[%add3A_47] : memref<320000xi32, #tpu.memory_space<hbm>> -> memref<40xi32, #tpu.memory_space<hbm>>
    %dma_start3A_50 = tpu.memref_slice %arg22[%dma_start3A_48] : memref<7x!tpu.dma_semaphore, #tpu.memory_space<semaphore_mem>> -> memref<1x!tpu.dma_semaphore, #tpu.memory_space<semaphore_mem>>
    %dma_start3A_51 = tpu.memref_squeeze %dma_start3A_50 : memref<1x!tpu.dma_semaphore, #tpu.memory_space<semaphore_mem>> -> memref<!tpu.dma_semaphore, #tpu.memory_space<semaphore_mem>>
    %dma_start3A_52 = tpu.memref_slice %arg4[%add3A_47] : memref<320000xi32, #tpu.memory_space<hbm>> -> memref<40xi32, #tpu.memory_space<hbm>>
    tpu.enqueue_dma source(%dma_start3A_52 : memref<40xi32, #tpu.memory_space<hbm>>) target(%arg16 : memref<40xi32, #tpu.memory_space<vmem>>) target_semaphore(%dma_start3A_51 : memref<!tpu.dma_semaphore, #tpu.memory_space<semaphore_mem>>)
    %dma_start3A_53 = arith.constant 2 : i32
    %dma_start3A_54 = arith.constant 80 : i32
    %dma_start3A_55 = tpu.memref_slice %arg21[%dma_start3A_54] : memref<10000xi32, #tpu.memory_space<vmem>> -> memref<40xi32, #tpu.memory_space<vmem>>
    %dma_start3A_56 = arith.constant 0 : i32
    %dma_start3A_57 = arith.constant 0 : i32
    %dma_start3A_58 = tpu.memref_slice %arg2[%dma_start3A_56, %dma_start3A_57] : memref<10000x128xf32, #tpu.memory_space<hbm>> -> memref<10000x128xf32, #tpu.memory_space<hbm>>
    %dma_start3A_59 = tpu.memref_slice %arg23[%dma_start3A_53] : memref<7x!tpu.dma_semaphore, #tpu.memory_space<semaphore_mem>> -> memref<1x!tpu.dma_semaphore, #tpu.memory_space<semaphore_mem>>
    %dma_start3A_60 = tpu.memref_squeeze %dma_start3A_59 : memref<1x!tpu.dma_semaphore, #tpu.memory_space<semaphore_mem>> -> memref<!tpu.dma_semaphore, #tpu.memory_space<semaphore_mem>>
    tpu.enqueue_indirect_dma source(%dma_start3A_58 : memref<10000x128xf32, #tpu.memory_space<hbm>>) target(%arg9 : memref<40x128xf32, #tpu.memory_space<vmem>>) offsets(%dma_start3A_55 : memref<40xi32, #tpu.memory_space<vmem>>) semaphore(%dma_start3A_60 : memref<!tpu.dma_semaphore, #tpu.memory_space<semaphore_mem>>)
    %add3A_61 = arith.constant 120 : i32
    %add3A_62 = arith.addi %mul3A_2, %add3A_61 : i32
    %dma_start3A_63 = arith.constant 3 : i32
    %dma_start3A_64 = tpu.memref_slice %arg4[%add3A_62] : memref<320000xi32, #tpu.memory_space<hbm>> -> memref<40xi32, #tpu.memory_space<hbm>>
    %dma_start3A_65 = tpu.memref_slice %arg22[%dma_start3A_63] : memref<7x!tpu.dma_semaphore, #tpu.memory_space<semaphore_mem>> -> memref<1x!tpu.dma_semaphore, #tpu.memory_space<semaphore_mem>>
    %dma_start3A_66 = tpu.memref_squeeze %dma_start3A_65 : memref<1x!tpu.dma_semaphore, #tpu.memory_space<semaphore_mem>> -> memref<!tpu.dma_semaphore, #tpu.memory_space<semaphore_mem>>
    %dma_start3A_67 = tpu.memref_slice %arg4[%add3A_62] : memref<320000xi32, #tpu.memory_space<hbm>> -> memref<40xi32, #tpu.memory_space<hbm>>
    tpu.enqueue_dma source(%dma_start3A_67 : memref<40xi32, #tpu.memory_space<hbm>>) target(%arg17 : memref<40xi32, #tpu.memory_space<vmem>>) target_semaphore(%dma_start3A_66 : memref<!tpu.dma_semaphore, #tpu.memory_space<semaphore_mem>>)
    %dma_start3A_68 = arith.constant 3 : i32
    %dma_start3A_69 = arith.constant 120 : i32
    %dma_start3A_70 = tpu.memref_slice %arg21[%dma_start3A_69] : memref<10000xi32, #tpu.memory_space<vmem>> -> memref<40xi32, #tpu.memory_space<vmem>>
    %dma_start3A_71 = arith.constant 0 : i32
    %dma_start3A_72 = arith.constant 0 : i32
    %dma_start3A_73 = tpu.memref_slice %arg2[%dma_start3A_71, %dma_start3A_72] : memref<10000x128xf32, #tpu.memory_space<hbm>> -> memref<10000x128xf32, #tpu.memory_space<hbm>>
    %dma_start3A_74 = tpu.memref_slice %arg23[%dma_start3A_68] : memref<7x!tpu.dma_semaphore, #tpu.memory_space<semaphore_mem>> -> memref<1x!tpu.dma_semaphore, #tpu.memory_space<semaphore_mem>>
    %dma_start3A_75 = tpu.memref_squeeze %dma_start3A_74 : memref<1x!tpu.dma_semaphore, #tpu.memory_space<semaphore_mem>> -> memref<!tpu.dma_semaphore, #tpu.memory_space<semaphore_mem>>
    tpu.enqueue_indirect_dma source(%dma_start3A_73 : memref<10000x128xf32, #tpu.memory_space<hbm>>) target(%arg10 : memref<40x128xf32, #tpu.memory_space<vmem>>) offsets(%dma_start3A_70 : memref<40xi32, #tpu.memory_space<vmem>>) semaphore(%dma_start3A_75 : memref<!tpu.dma_semaphore, #tpu.memory_space<semaphore_mem>>)
    %add3A_76 = arith.constant 160 : i32
    %add3A_77 = arith.addi %mul3A_2, %add3A_76 : i32
    %dma_start3A_78 = arith.constant 4 : i32
    %dma_start3A_79 = tpu.memref_slice %arg4[%add3A_77] : memref<320000xi32, #tpu.memory_space<hbm>> -> memref<40xi32, #tpu.memory_space<hbm>>
    %dma_start3A_80 = tpu.memref_slice %arg22[%dma_start3A_78] : memref<7x!tpu.dma_semaphore, #tpu.memory_space<semaphore_mem>> -> memref<1x!tpu.dma_semaphore, #tpu.memory_space<semaphore_mem>>
    %dma_start3A_81 = tpu.memref_squeeze %dma_start3A_80 : memref<1x!tpu.dma_semaphore, #tpu.memory_space<semaphore_mem>> -> memref<!tpu.dma_semaphore, #tpu.memory_space<semaphore_mem>>
    %dma_start3A_82 = tpu.memref_slice %arg4[%add3A_77] : memref<320000xi32, #tpu.memory_space<hbm>> -> memref<40xi32, #tpu.memory_space<hbm>>
    tpu.enqueue_dma source(%dma_start3A_82 : memref<40xi32, #tpu.memory_space<hbm>>) target(%arg18 : memref<40xi32, #tpu.memory_space<vmem>>) target_semaphore(%dma_start3A_81 : memref<!tpu.dma_semaphore, #tpu.memory_space<semaphore_mem>>)
    %dma_start3A_83 = arith.constant 4 : i32
    %dma_start3A_84 = arith.constant 160 : i32
    %dma_start3A_85 = tpu.memref_slice %arg21[%dma_start3A_84] : memref<10000xi32, #tpu.memory_space<vmem>> -> memref<40xi32, #tpu.memory_space<vmem>>
    %dma_start3A_86 = arith.constant 0 : i32
    %dma_start3A_87 = arith.constant 0 : i32
    %dma_start3A_88 = tpu.memref_slice %arg2[%dma_start3A_86, %dma_start3A_87] : memref<10000x128xf32, #tpu.memory_space<hbm>> -> memref<10000x128xf32, #tpu.memory_space<hbm>>
    %dma_start3A_89 = tpu.memref_slice %arg23[%dma_start3A_83] : memref<7x!tpu.dma_semaphore, #tpu.memory_space<semaphore_mem>> -> memref<1x!tpu.dma_semaphore, #tpu.memory_space<semaphore_mem>>
    %dma_start3A_90 = tpu.memref_squeeze %dma_start3A_89 : memref<1x!tpu.dma_semaphore, #tpu.memory_space<semaphore_mem>> -> memref<!tpu.dma_semaphore, #tpu.memory_space<semaphore_mem>>
    tpu.enqueue_indirect_dma source(%dma_start3A_88 : memref<10000x128xf32, #tpu.memory_space<hbm>>) target(%arg11 : memref<40x128xf32, #tpu.memory_space<vmem>>) offsets(%dma_start3A_85 : memref<40xi32, #tpu.memory_space<vmem>>) semaphore(%dma_start3A_90 : memref<!tpu.dma_semaphore, #tpu.memory_space<semaphore_mem>>)
    %add3A_91 = arith.constant 200 : i32
    %add3A_92 = arith.addi %mul3A_2, %add3A_91 : i32
    %dma_start3A_93 = arith.constant 5 : i32
    %dma_start3A_94 = tpu.memref_slice %arg4[%add3A_92] : memref<320000xi32, #tpu.memory_space<hbm>> -> memref<40xi32, #tpu.memory_space<hbm>>
    %dma_start3A_95 = tpu.memref_slice %arg22[%dma_start3A_93] : memref<7x!tpu.dma_semaphore, #tpu.memory_space<semaphore_mem>> -> memref<1x!tpu.dma_semaphore, #tpu.memory_space<semaphore_mem>>
    %dma_start3A_96 = tpu.memref_squeeze %dma_start3A_95 : memref<1x!tpu.dma_semaphore, #tpu.memory_space<semaphore_mem>> -> memref<!tpu.dma_semaphore, #tpu.memory_space<semaphore_mem>>
    %dma_start3A_97 = tpu.memref_slice %arg4[%add3A_92] : memref<320000xi32, #tpu.memory_space<hbm>> -> memref<40xi32, #tpu.memory_space<hbm>>
    tpu.enqueue_dma source(%dma_start3A_97 : memref<40xi32, #tpu.memory_space<hbm>>) target(%arg19 : memref<40xi32, #tpu.memory_space<vmem>>) target_semaphore(%dma_start3A_96 : memref<!tpu.dma_semaphore, #tpu.memory_space<semaphore_mem>>)
    %dma_start3A_98 = arith.constant 5 : i32
    %dma_start3A_99 = arith.constant 200 : i32
    %dma_start3A_100 = tpu.memref_slice %arg21[%dma_start3A_99] : memref<10000xi32, #tpu.memory_space<vmem>> -> memref<40xi32, #tpu.memory_space<vmem>>
    %dma_start3A_101 = arith.constant 0 : i32
    %dma_start3A_102 = arith.constant 0 : i32
    %dma_start3A_103 = tpu.memref_slice %arg2[%dma_start3A_101, %dma_start3A_102] : memref<10000x128xf32, #tpu.memory_space<hbm>> -> memref<10000x128xf32, #tpu.memory_space<hbm>>
    %dma_start3A_104 = tpu.memref_slice %arg23[%dma_start3A_98] : memref<7x!tpu.dma_semaphore, #tpu.memory_space<semaphore_mem>> -> memref<1x!tpu.dma_semaphore, #tpu.memory_space<semaphore_mem>>
    %dma_start3A_105 = tpu.memref_squeeze %dma_start3A_104 : memref<1x!tpu.dma_semaphore, #tpu.memory_space<semaphore_mem>> -> memref<!tpu.dma_semaphore, #tpu.memory_space<semaphore_mem>>
    tpu.enqueue_indirect_dma source(%dma_start3A_103 : memref<10000x128xf32, #tpu.memory_space<hbm>>) target(%arg12 : memref<40x128xf32, #tpu.memory_space<vmem>>) offsets(%dma_start3A_100 : memref<40xi32, #tpu.memory_space<vmem>>) semaphore(%dma_start3A_105 : memref<!tpu.dma_semaphore, #tpu.memory_space<semaphore_mem>>)
    %add3A_106 = arith.constant 240 : i32
    %add3A_107 = arith.addi %mul3A_2, %add3A_106 : i32
    %dma_start3A_108 = arith.constant 6 : i32
    %dma_start3A_109 = tpu.memref_slice %arg4[%add3A_107] : memref<320000xi32, #tpu.memory_space<hbm>> -> memref<40xi32, #tpu.memory_space<hbm>>
    %dma_start3A_110 = tpu.memref_slice %arg22[%dma_start3A_108] : memref<7x!tpu.dma_semaphore, #tpu.memory_space<semaphore_mem>> -> memref<1x!tpu.dma_semaphore, #tpu.memory_space<semaphore_mem>>
    %dma_start3A_111 = tpu.memref_squeeze %dma_start3A_110 : memref<1x!tpu.dma_semaphore, #tpu.memory_space<semaphore_mem>> -> memref<!tpu.dma_semaphore, #tpu.memory_space<semaphore_mem>>
    %dma_start3A_112 = tpu.memref_slice %arg4[%add3A_107] : memref<320000xi32, #tpu.memory_space<hbm>> -> memref<40xi32, #tpu.memory_space<hbm>>
    tpu.enqueue_dma source(%dma_start3A_112 : memref<40xi32, #tpu.memory_space<hbm>>) target(%arg20 : memref<40xi32, #tpu.memory_space<vmem>>) target_semaphore(%dma_start3A_111 : memref<!tpu.dma_semaphore, #tpu.memory_space<semaphore_mem>>)
    %dma_start3A_113 = arith.constant 6 : i32
    %dma_start3A_114 = arith.constant 240 : i32
    %dma_start3A_115 = tpu.memref_slice %arg21[%dma_start3A_114] : memref<10000xi32, #tpu.memory_space<vmem>> -> memref<40xi32, #tpu.memory_space<vmem>>
    %dma_start3A_116 = arith.constant 0 : i32
    %dma_start3A_117 = arith.constant 0 : i32
    %dma_start3A_118 = tpu.memref_slice %arg2[%dma_start3A_116, %dma_start3A_117] : memref<10000x128xf32, #tpu.memory_space<hbm>> -> memref<10000x128xf32, #tpu.memory_space<hbm>>
    %dma_start3A_119 = tpu.memref_slice %arg23[%dma_start3A_113] : memref<7x!tpu.dma_semaphore, #tpu.memory_space<semaphore_mem>> -> memref<1x!tpu.dma_semaphore, #tpu.memory_space<semaphore_mem>>
    %dma_start3A_120 = tpu.memref_squeeze %dma_start3A_119 : memref<1x!tpu.dma_semaphore, #tpu.memory_space<semaphore_mem>> -> memref<!tpu.dma_semaphore, #tpu.memory_space<semaphore_mem>>
    tpu.enqueue_indirect_dma source(%dma_start3A_118 : memref<10000x128xf32, #tpu.memory_space<hbm>>) target(%arg13 : memref<40x128xf32, #tpu.memory_space<vmem>>) offsets(%dma_start3A_115 : memref<40xi32, #tpu.memory_space<vmem>>) semaphore(%dma_start3A_120 : memref<!tpu.dma_semaphore, #tpu.memory_space<semaphore_mem>>)
    %scan3A_121 = arith.constant 0 : i32
    %scan3A_122 = arith.constant 35 : i32
    %scan3A_123 = arith.addi %scan3A_121, %scan3A_122 : i32
    %scan3A_124 = arith.constant 1 : i32
    scf.for %scan3A_283 = %scan3A_121 to %scan3A_123 step %scan3A_124  : i32 {
      %mul3A_284 = arith.constant 7 : i32
      %mul3A_285 = arith.muli %scan3A_283, %mul3A_284 : i32
      %add3A_286 = arith.constant 0 : i32
      %add3A_287 = arith.addi %mul3A_285, %add3A_286 : i32
      %mul3A_288 = arith.constant 40 : i32
      %mul3A_289 = arith.muli %add3A_287, %mul3A_288 : i32
      %dma_wait3A_290 = arith.constant 0 : i32
      %dma_wait3A_291 = tpu.memref_slice %arg21[%mul3A_289] : memref<10000xi32, #tpu.memory_space<vmem>> -> memref<40xi32, #tpu.memory_space<vmem>>
      %dma_wait3A_292 = arith.constant 0 : i32
      %dma_wait3A_293 = arith.constant 0 : i32
      %dma_wait3A_294 = tpu.memref_slice %arg2[%dma_wait3A_292, %dma_wait3A_293] : memref<10000x128xf32, #tpu.memory_space<hbm>> -> memref<10000x128xf32, #tpu.memory_space<hbm>>
      %dma_wait3A_295 = tpu.memref_slice %arg23[%dma_wait3A_290] : memref<7x!tpu.dma_semaphore, #tpu.memory_space<semaphore_mem>> -> memref<1x!tpu.dma_semaphore, #tpu.memory_space<semaphore_mem>>
      %dma_wait3A_296 = tpu.memref_squeeze %dma_wait3A_295 : memref<1x!tpu.dma_semaphore, #tpu.memory_space<semaphore_mem>> -> memref<!tpu.dma_semaphore, #tpu.memory_space<semaphore_mem>>
      tpu.wait_indirect_dma semaphore(%dma_wait3A_296 : memref<!tpu.dma_semaphore, #tpu.memory_space<semaphore_mem>>) src(%dma_wait3A_294 : memref<10000x128xf32, #tpu.memory_space<hbm>>) dst(%arg7 : memref<40x128xf32, #tpu.memory_space<vmem>>)
      %dma_wait3A_297 = arith.constant 0 : i32
      %dma_wait3A_298 = arith.constant 0 : i32
      %dma_wait3A_299 = tpu.memref_slice %arg4[%dma_wait3A_298] : memref<320000xi32, #tpu.memory_space<hbm>> -> memref<40xi32, #tpu.memory_space<hbm>>
      %dma_wait3A_300 = tpu.memref_slice %arg22[%dma_wait3A_297] : memref<7x!tpu.dma_semaphore, #tpu.memory_space<semaphore_mem>> -> memref<1x!tpu.dma_semaphore, #tpu.memory_space<semaphore_mem>>
      %dma_wait3A_301 = tpu.memref_squeeze %dma_wait3A_300 : memref<1x!tpu.dma_semaphore, #tpu.memory_space<semaphore_mem>> -> memref<!tpu.dma_semaphore, #tpu.memory_space<semaphore_mem>>
      %dma_wait3A_302 = arith.constant 0 : i32
      %dma_wait3A_303 = tpu.memref_slice %arg4[%dma_wait3A_302] : memref<320000xi32, #tpu.memory_space<hbm>> -> memref<40xi32, #tpu.memory_space<hbm>>
      tpu.wait_dma2 semaphore(%dma_wait3A_301 : memref<!tpu.dma_semaphore, #tpu.memory_space<semaphore_mem>>) src(%dma_wait3A_303 : memref<40xi32, #tpu.memory_space<hbm>>) dst(%arg14 : memref<40xi32, #tpu.memory_space<vmem>>)
      %dma_start3A_304 = arith.constant 0 : i32
      %dma_start3A_305 = arith.constant 0 : i32
      %dma_start3A_306 = arith.constant 0 : i32
      %dma_start3A_307 = tpu.memref_slice %arg6[%dma_start3A_305, %dma_start3A_306] : memref<10000x128xf32, #tpu.memory_space<vmem_shared>> -> memref<10000x128xf32, #tpu.memory_space<vmem_shared>>
      %dma_start3A_308 = tpu.memref_slice %arg24[%dma_start3A_304] : memref<7x!tpu.dma_semaphore, #tpu.memory_space<semaphore_mem>> -> memref<1x!tpu.dma_semaphore, #tpu.memory_space<semaphore_mem>>
      %dma_start3A_309 = tpu.memref_squeeze %dma_start3A_308 : memref<1x!tpu.dma_semaphore, #tpu.memory_space<semaphore_mem>> -> memref<!tpu.dma_semaphore, #tpu.memory_space<semaphore_mem>>
      tpu.enqueue_indirect_dma source(%arg7 : memref<40x128xf32, #tpu.memory_space<vmem>>) target(%dma_start3A_307 : memref<10000x128xf32, #tpu.memory_space<vmem_shared>>) offsets(%arg14 : memref<40xi32, #tpu.memory_space<vmem>>) semaphore(%dma_start3A_309 : memref<!tpu.dma_semaphore, #tpu.memory_space<semaphore_mem>>) {add = true}
      %mul3A_310 = arith.constant 7 : i32
      %mul3A_311 = arith.muli %scan3A_283, %mul3A_310 : i32
      %add3A_312 = arith.constant 1 : i32
      %add3A_313 = arith.addi %mul3A_311, %add3A_312 : i32
      %mul3A_314 = arith.constant 40 : i32
      %mul3A_315 = arith.muli %add3A_313, %mul3A_314 : i32
      %dma_wait3A_316 = arith.constant 1 : i32
      %dma_wait3A_317 = tpu.memref_slice %arg21[%mul3A_315] : memref<10000xi32, #tpu.memory_space<vmem>> -> memref<40xi32, #tpu.memory_space<vmem>>
      %dma_wait3A_318 = arith.constant 0 : i32
      %dma_wait3A_319 = arith.constant 0 : i32
      %dma_wait3A_320 = tpu.memref_slice %arg2[%dma_wait3A_318, %dma_wait3A_319] : memref<10000x128xf32, #tpu.memory_space<hbm>> -> memref<10000x128xf32, #tpu.memory_space<hbm>>
      %dma_wait3A_321 = tpu.memref_slice %arg23[%dma_wait3A_316] : memref<7x!tpu.dma_semaphore, #tpu.memory_space<semaphore_mem>> -> memref<1x!tpu.dma_semaphore, #tpu.memory_space<semaphore_mem>>
      %dma_wait3A_322 = tpu.memref_squeeze %dma_wait3A_321 : memref<1x!tpu.dma_semaphore, #tpu.memory_space<semaphore_mem>> -> memref<!tpu.dma_semaphore, #tpu.memory_space<semaphore_mem>>
      tpu.wait_indirect_dma semaphore(%dma_wait3A_322 : memref<!tpu.dma_semaphore, #tpu.memory_space<semaphore_mem>>) src(%dma_wait3A_320 : memref<10000x128xf32, #tpu.memory_space<hbm>>) dst(%arg8 : memref<40x128xf32, #tpu.memory_space<vmem>>)
      %dma_wait3A_323 = arith.constant 1 : i32
      %dma_wait3A_324 = arith.constant 0 : i32
      %dma_wait3A_325 = tpu.memref_slice %arg4[%dma_wait3A_324] : memref<320000xi32, #tpu.memory_space<hbm>> -> memref<40xi32, #tpu.memory_space<hbm>>
      %dma_wait3A_326 = tpu.memref_slice %arg22[%dma_wait3A_323] : memref<7x!tpu.dma_semaphore, #tpu.memory_space<semaphore_mem>> -> memref<1x!tpu.dma_semaphore, #tpu.memory_space<semaphore_mem>>
      %dma_wait3A_327 = tpu.memref_squeeze %dma_wait3A_326 : memref<1x!tpu.dma_semaphore, #tpu.memory_space<semaphore_mem>> -> memref<!tpu.dma_semaphore, #tpu.memory_space<semaphore_mem>>
      %dma_wait3A_328 = arith.constant 0 : i32
      %dma_wait3A_329 = tpu.memref_slice %arg4[%dma_wait3A_328] : memref<320000xi32, #tpu.memory_space<hbm>> -> memref<40xi32, #tpu.memory_space<hbm>>
      tpu.wait_dma2 semaphore(%dma_wait3A_327 : memref<!tpu.dma_semaphore, #tpu.memory_space<semaphore_mem>>) src(%dma_wait3A_329 : memref<40xi32, #tpu.memory_space<hbm>>) dst(%arg15 : memref<40xi32, #tpu.memory_space<vmem>>)
      %dma_start3A_330 = arith.constant 1 : i32
      %dma_start3A_331 = arith.constant 0 : i32
      %dma_start3A_332 = arith.constant 0 : i32
      %dma_start3A_333 = tpu.memref_slice %arg6[%dma_start3A_331, %dma_start3A_332] : memref<10000x128xf32, #tpu.memory_space<vmem_shared>> -> memref<10000x128xf32, #tpu.memory_space<vmem_shared>>
      %dma_start3A_334 = tpu.memref_slice %arg24[%dma_start3A_330] : memref<7x!tpu.dma_semaphore, #tpu.memory_space<semaphore_mem>> -> memref<1x!tpu.dma_semaphore, #tpu.memory_space<semaphore_mem>>
      %dma_start3A_335 = tpu.memref_squeeze %dma_start3A_334 : memref<1x!tpu.dma_semaphore, #tpu.memory_space<semaphore_mem>> -> memref<!tpu.dma_semaphore, #tpu.memory_space<semaphore_mem>>
      tpu.enqueue_indirect_dma source(%arg8 : memref<40x128xf32, #tpu.memory_space<vmem>>) target(%dma_start3A_333 : memref<10000x128xf32, #tpu.memory_space<vmem_shared>>) offsets(%arg15 : memref<40xi32, #tpu.memory_space<vmem>>) semaphore(%dma_start3A_335 : memref<!tpu.dma_semaphore, #tpu.memory_space<semaphore_mem>>) {add = true}
      %mul3A_336 = arith.constant 7 : i32
      %mul3A_337 = arith.muli %scan3A_283, %mul3A_336 : i32
      %add3A_338 = arith.constant 2 : i32
      %add3A_339 = arith.addi %mul3A_337, %add3A_338 : i32
      %mul3A_340 = arith.constant 40 : i32
      %mul3A_341 = arith.muli %add3A_339, %mul3A_340 : i32
      %dma_wait3A_342 = arith.constant 2 : i32
      %dma_wait3A_343 = tpu.memref_slice %arg21[%mul3A_341] : memref<10000xi32, #tpu.memory_space<vmem>> -> memref<40xi32, #tpu.memory_space<vmem>>
      %dma_wait3A_344 = arith.constant 0 : i32
      %dma_wait3A_345 = arith.constant 0 : i32
      %dma_wait3A_346 = tpu.memref_slice %arg2[%dma_wait3A_344, %dma_wait3A_345] : memref<10000x128xf32, #tpu.memory_space<hbm>> -> memref<10000x128xf32, #tpu.memory_space<hbm>>
      %dma_wait3A_347 = tpu.memref_slice %arg23[%dma_wait3A_342] : memref<7x!tpu.dma_semaphore, #tpu.memory_space<semaphore_mem>> -> memref<1x!tpu.dma_semaphore, #tpu.memory_space<semaphore_mem>>
      %dma_wait3A_348 = tpu.memref_squeeze %dma_wait3A_347 : memref<1x!tpu.dma_semaphore, #tpu.memory_space<semaphore_mem>> -> memref<!tpu.dma_semaphore, #tpu.memory_space<semaphore_mem>>
      tpu.wait_indirect_dma semaphore(%dma_wait3A_348 : memref<!tpu.dma_semaphore, #tpu.memory_space<semaphore_mem>>) src(%dma_wait3A_346 : memref<10000x128xf32, #tpu.memory_space<hbm>>) dst(%arg9 : memref<40x128xf32, #tpu.memory_space<vmem>>)
      %dma_wait3A_349 = arith.constant 2 : i32
      %dma_wait3A_350 = arith.constant 0 : i32
      %dma_wait3A_351 = tpu.memref_slice %arg4[%dma_wait3A_350] : memref<320000xi32, #tpu.memory_space<hbm>> -> memref<40xi32, #tpu.memory_space<hbm>>
      %dma_wait3A_352 = tpu.memref_slice %arg22[%dma_wait3A_349] : memref<7x!tpu.dma_semaphore, #tpu.memory_space<semaphore_mem>> -> memref<1x!tpu.dma_semaphore, #tpu.memory_space<semaphore_mem>>
      %dma_wait3A_353 = tpu.memref_squeeze %dma_wait3A_352 : memref<1x!tpu.dma_semaphore, #tpu.memory_space<semaphore_mem>> -> memref<!tpu.dma_semaphore, #tpu.memory_space<semaphore_mem>>
      %dma_wait3A_354 = arith.constant 0 : i32
      %dma_wait3A_355 = tpu.memref_slice %arg4[%dma_wait3A_354] : memref<320000xi32, #tpu.memory_space<hbm>> -> memref<40xi32, #tpu.memory_space<hbm>>
      tpu.wait_dma2 semaphore(%dma_wait3A_353 : memref<!tpu.dma_semaphore, #tpu.memory_space<semaphore_mem>>) src(%dma_wait3A_355 : memref<40xi32, #tpu.memory_space<hbm>>) dst(%arg16 : memref<40xi32, #tpu.memory_space<vmem>>)
      %dma_start3A_356 = arith.constant 2 : i32
      %dma_start3A_357 = arith.constant 0 : i32
      %dma_start3A_358 = arith.constant 0 : i32
      %dma_start3A_359 = tpu.memref_slice %arg6[%dma_start3A_357, %dma_start3A_358] : memref<10000x128xf32, #tpu.memory_space<vmem_shared>> -> memref<10000x128xf32, #tpu.memory_space<vmem_shared>>
      %dma_start3A_360 = tpu.memref_slice %arg24[%dma_start3A_356] : memref<7x!tpu.dma_semaphore, #tpu.memory_space<semaphore_mem>> -> memref<1x!tpu.dma_semaphore, #tpu.memory_space<semaphore_mem>>
      %dma_start3A_361 = tpu.memref_squeeze %dma_start3A_360 : memref<1x!tpu.dma_semaphore, #tpu.memory_space<semaphore_mem>> -> memref<!tpu.dma_semaphore, #tpu.memory_space<semaphore_mem>>
      tpu.enqueue_indirect_dma source(%arg9 : memref<40x128xf32, #tpu.memory_space<vmem>>) target(%dma_start3A_359 : memref<10000x128xf32, #tpu.memory_space<vmem_shared>>) offsets(%arg16 : memref<40xi32, #tpu.memory_space<vmem>>) semaphore(%dma_start3A_361 : memref<!tpu.dma_semaphore, #tpu.memory_space<semaphore_mem>>) {add = true}
      %mul3A_362 = arith.constant 7 : i32
      %mul3A_363 = arith.muli %scan3A_283, %mul3A_362 : i32
      %add3A_364 = arith.constant 3 : i32
      %add3A_365 = arith.addi %mul3A_363, %add3A_364 : i32
      %mul3A_366 = arith.constant 40 : i32
      %mul3A_367 = arith.muli %add3A_365, %mul3A_366 : i32
      %dma_wait3A_368 = arith.constant 3 : i32
      %dma_wait3A_369 = tpu.memref_slice %arg21[%mul3A_367] : memref<10000xi32, #tpu.memory_space<vmem>> -> memref<40xi32, #tpu.memory_space<vmem>>
      %dma_wait3A_370 = arith.constant 0 : i32
      %dma_wait3A_371 = arith.constant 0 : i32
      %dma_wait3A_372 = tpu.memref_slice %arg2[%dma_wait3A_370, %dma_wait3A_371] : memref<10000x128xf32, #tpu.memory_space<hbm>> -> memref<10000x128xf32, #tpu.memory_space<hbm>>
      %dma_wait3A_373 = tpu.memref_slice %arg23[%dma_wait3A_368] : memref<7x!tpu.dma_semaphore, #tpu.memory_space<semaphore_mem>> -> memref<1x!tpu.dma_semaphore, #tpu.memory_space<semaphore_mem>>
      %dma_wait3A_374 = tpu.memref_squeeze %dma_wait3A_373 : memref<1x!tpu.dma_semaphore, #tpu.memory_space<semaphore_mem>> -> memref<!tpu.dma_semaphore, #tpu.memory_space<semaphore_mem>>
      tpu.wait_indirect_dma semaphore(%dma_wait3A_374 : memref<!tpu.dma_semaphore, #tpu.memory_space<semaphore_mem>>) src(%dma_wait3A_372 : memref<10000x128xf32, #tpu.memory_space<hbm>>) dst(%arg10 : memref<40x128xf32, #tpu.memory_space<vmem>>)
      %dma_wait3A_375 = arith.constant 3 : i32
      %dma_wait3A_376 = arith.constant 0 : i32
      %dma_wait3A_377 = tpu.memref_slice %arg4[%dma_wait3A_376] : memref<320000xi32, #tpu.memory_space<hbm>> -> memref<40xi32, #tpu.memory_space<hbm>>
      %dma_wait3A_378 = tpu.memref_slice %arg22[%dma_wait3A_375] : memref<7x!tpu.dma_semaphore, #tpu.memory_space<semaphore_mem>> -> memref<1x!tpu.dma_semaphore, #tpu.memory_space<semaphore_mem>>
      %dma_wait3A_379 = tpu.memref_squeeze %dma_wait3A_378 : memref<1x!tpu.dma_semaphore, #tpu.memory_space<semaphore_mem>> -> memref<!tpu.dma_semaphore, #tpu.memory_space<semaphore_mem>>
      %dma_wait3A_380 = arith.constant 0 : i32
      %dma_wait3A_381 = tpu.memref_slice %arg4[%dma_wait3A_380] : memref<320000xi32, #tpu.memory_space<hbm>> -> memref<40xi32, #tpu.memory_space<hbm>>
      tpu.wait_dma2 semaphore(%dma_wait3A_379 : memref<!tpu.dma_semaphore, #tpu.memory_space<semaphore_mem>>) src(%dma_wait3A_381 : memref<40xi32, #tpu.memory_space<hbm>>) dst(%arg17 : memref<40xi32, #tpu.memory_space<vmem>>)
      %dma_start3A_382 = arith.constant 3 : i32
      %dma_start3A_383 = arith.constant 0 : i32
      %dma_start3A_384 = arith.constant 0 : i32
      %dma_start3A_385 = tpu.memref_slice %arg6[%dma_start3A_383, %dma_start3A_384] : memref<10000x128xf32, #tpu.memory_space<vmem_shared>> -> memref<10000x128xf32, #tpu.memory_space<vmem_shared>>
      %dma_start3A_386 = tpu.memref_slice %arg24[%dma_start3A_382] : memref<7x!tpu.dma_semaphore, #tpu.memory_space<semaphore_mem>> -> memref<1x!tpu.dma_semaphore, #tpu.memory_space<semaphore_mem>>
      %dma_start3A_387 = tpu.memref_squeeze %dma_start3A_386 : memref<1x!tpu.dma_semaphore, #tpu.memory_space<semaphore_mem>> -> memref<!tpu.dma_semaphore, #tpu.memory_space<semaphore_mem>>
      tpu.enqueue_indirect_dma source(%arg10 : memref<40x128xf32, #tpu.memory_space<vmem>>) target(%dma_start3A_385 : memref<10000x128xf32, #tpu.memory_space<vmem_shared>>) offsets(%arg17 : memref<40xi32, #tpu.memory_space<vmem>>) semaphore(%dma_start3A_387 : memref<!tpu.dma_semaphore, #tpu.memory_space<semaphore_mem>>) {add = true}
      %mul3A_388 = arith.constant 7 : i32
      %mul3A_389 = arith.muli %scan3A_283, %mul3A_388 : i32
      %add3A_390 = arith.constant 4 : i32
      %add3A_391 = arith.addi %mul3A_389, %add3A_390 : i32
      %mul3A_392 = arith.constant 40 : i32
      %mul3A_393 = arith.muli %add3A_391, %mul3A_392 : i32
      %dma_wait3A_394 = arith.constant 4 : i32
      %dma_wait3A_395 = tpu.memref_slice %arg21[%mul3A_393] : memref<10000xi32, #tpu.memory_space<vmem>> -> memref<40xi32, #tpu.memory_space<vmem>>
      %dma_wait3A_396 = arith.constant 0 : i32
      %dma_wait3A_397 = arith.constant 0 : i32
      %dma_wait3A_398 = tpu.memref_slice %arg2[%dma_wait3A_396, %dma_wait3A_397] : memref<10000x128xf32, #tpu.memory_space<hbm>> -> memref<10000x128xf32, #tpu.memory_space<hbm>>
      %dma_wait3A_399 = tpu.memref_slice %arg23[%dma_wait3A_394] : memref<7x!tpu.dma_semaphore, #tpu.memory_space<semaphore_mem>> -> memref<1x!tpu.dma_semaphore, #tpu.memory_space<semaphore_mem>>
      %dma_wait3A_400 = tpu.memref_squeeze %dma_wait3A_399 : memref<1x!tpu.dma_semaphore, #tpu.memory_space<semaphore_mem>> -> memref<!tpu.dma_semaphore, #tpu.memory_space<semaphore_mem>>
      tpu.wait_indirect_dma semaphore(%dma_wait3A_400 : memref<!tpu.dma_semaphore, #tpu.memory_space<semaphore_mem>>) src(%dma_wait3A_398 : memref<10000x128xf32, #tpu.memory_space<hbm>>) dst(%arg11 : memref<40x128xf32, #tpu.memory_space<vmem>>)
      %dma_wait3A_401 = arith.constant 4 : i32
      %dma_wait3A_402 = arith.constant 0 : i32
      %dma_wait3A_403 = tpu.memref_slice %arg4[%dma_wait3A_402] : memref<320000xi32, #tpu.memory_space<hbm>> -> memref<40xi32, #tpu.memory_space<hbm>>
      %dma_wait3A_404 = tpu.memref_slice %arg22[%dma_wait3A_401] : memref<7x!tpu.dma_semaphore, #tpu.memory_space<semaphore_mem>> -> memref<1x!tpu.dma_semaphore, #tpu.memory_space<semaphore_mem>>
      %dma_wait3A_405 = tpu.memref_squeeze %dma_wait3A_404 : memref<1x!tpu.dma_semaphore, #tpu.memory_space<semaphore_mem>> -> memref<!tpu.dma_semaphore, #tpu.memory_space<semaphore_mem>>
      %dma_wait3A_406 = arith.constant 0 : i32
      %dma_wait3A_407 = tpu.memref_slice %arg4[%dma_wait3A_406] : memref<320000xi32, #tpu.memory_space<hbm>> -> memref<40xi32, #tpu.memory_space<hbm>>
      tpu.wait_dma2 semaphore(%dma_wait3A_405 : memref<!tpu.dma_semaphore, #tpu.memory_space<semaphore_mem>>) src(%dma_wait3A_407 : memref<40xi32, #tpu.memory_space<hbm>>) dst(%arg18 : memref<40xi32, #tpu.memory_space<vmem>>)
      %dma_start3A_408 = arith.constant 4 : i32
      %dma_start3A_409 = arith.constant 0 : i32
      %dma_start3A_410 = arith.constant 0 : i32
      %dma_start3A_411 = tpu.memref_slice %arg6[%dma_start3A_409, %dma_start3A_410] : memref<10000x128xf32, #tpu.memory_space<vmem_shared>> -> memref<10000x128xf32, #tpu.memory_space<vmem_shared>>
      %dma_start3A_412 = tpu.memref_slice %arg24[%dma_start3A_408] : memref<7x!tpu.dma_semaphore, #tpu.memory_space<semaphore_mem>> -> memref<1x!tpu.dma_semaphore, #tpu.memory_space<semaphore_mem>>
      %dma_start3A_413 = tpu.memref_squeeze %dma_start3A_412 : memref<1x!tpu.dma_semaphore, #tpu.memory_space<semaphore_mem>> -> memref<!tpu.dma_semaphore, #tpu.memory_space<semaphore_mem>>
      tpu.enqueue_indirect_dma source(%arg11 : memref<40x128xf32, #tpu.memory_space<vmem>>) target(%dma_start3A_411 : memref<10000x128xf32, #tpu.memory_space<vmem_shared>>) offsets(%arg18 : memref<40xi32, #tpu.memory_space<vmem>>) semaphore(%dma_start3A_413 : memref<!tpu.dma_semaphore, #tpu.memory_space<semaphore_mem>>) {add = true}
      %mul3A_414 = arith.constant 7 : i32
      %mul3A_415 = arith.muli %scan3A_283, %mul3A_414 : i32
      %add3A_416 = arith.constant 5 : i32
      %add3A_417 = arith.addi %mul3A_415, %add3A_416 : i32
      %mul3A_418 = arith.constant 40 : i32
      %mul3A_419 = arith.muli %add3A_417, %mul3A_418 : i32
      %dma_wait3A_420 = arith.constant 5 : i32
      %dma_wait3A_421 = tpu.memref_slice %arg21[%mul3A_419] : memref<10000xi32, #tpu.memory_space<vmem>> -> memref<40xi32, #tpu.memory_space<vmem>>
      %dma_wait3A_422 = arith.constant 0 : i32
      %dma_wait3A_423 = arith.constant 0 : i32
      %dma_wait3A_424 = tpu.memref_slice %arg2[%dma_wait3A_422, %dma_wait3A_423] : memref<10000x128xf32, #tpu.memory_space<hbm>> -> memref<10000x128xf32, #tpu.memory_space<hbm>>
      %dma_wait3A_425 = tpu.memref_slice %arg23[%dma_wait3A_420] : memref<7x!tpu.dma_semaphore, #tpu.memory_space<semaphore_mem>> -> memref<1x!tpu.dma_semaphore, #tpu.memory_space<semaphore_mem>>
      %dma_wait3A_426 = tpu.memref_squeeze %dma_wait3A_425 : memref<1x!tpu.dma_semaphore, #tpu.memory_space<semaphore_mem>> -> memref<!tpu.dma_semaphore, #tpu.memory_space<semaphore_mem>>
      tpu.wait_indirect_dma semaphore(%dma_wait3A_426 : memref<!tpu.dma_semaphore, #tpu.memory_space<semaphore_mem>>) src(%dma_wait3A_424 : memref<10000x128xf32, #tpu.memory_space<hbm>>) dst(%arg12 : memref<40x128xf32, #tpu.memory_space<vmem>>)
      %dma_wait3A_427 = arith.constant 5 : i32
      %dma_wait3A_428 = arith.constant 0 : i32
      %dma_wait3A_429 = tpu.memref_slice %arg4[%dma_wait3A_428] : memref<320000xi32, #tpu.memory_space<hbm>> -> memref<40xi32, #tpu.memory_space<hbm>>
      %dma_wait3A_430 = tpu.memref_slice %arg22[%dma_wait3A_427] : memref<7x!tpu.dma_semaphore, #tpu.memory_space<semaphore_mem>> -> memref<1x!tpu.dma_semaphore, #tpu.memory_space<semaphore_mem>>
      %dma_wait3A_431 = tpu.memref_squeeze %dma_wait3A_430 : memref<1x!tpu.dma_semaphore, #tpu.memory_space<semaphore_mem>> -> memref<!tpu.dma_semaphore, #tpu.memory_space<semaphore_mem>>
      %dma_wait3A_432 = arith.constant 0 : i32
      %dma_wait3A_433 = tpu.memref_slice %arg4[%dma_wait3A_432] : memref<320000xi32, #tpu.memory_space<hbm>> -> memref<40xi32, #tpu.memory_space<hbm>>
      tpu.wait_dma2 semaphore(%dma_wait3A_431 : memref<!tpu.dma_semaphore, #tpu.memory_space<semaphore_mem>>) src(%dma_wait3A_433 : memref<40xi32, #tpu.memory_space<hbm>>) dst(%arg19 : memref<40xi32, #tpu.memory_space<vmem>>)
      %dma_start3A_434 = arith.constant 5 : i32
      %dma_start3A_435 = arith.constant 0 : i32
      %dma_start3A_436 = arith.constant 0 : i32
      %dma_start3A_437 = tpu.memref_slice %arg6[%dma_start3A_435, %dma_start3A_436] : memref<10000x128xf32, #tpu.memory_space<vmem_shared>> -> memref<10000x128xf32, #tpu.memory_space<vmem_shared>>
      %dma_start3A_438 = tpu.memref_slice %arg24[%dma_start3A_434] : memref<7x!tpu.dma_semaphore, #tpu.memory_space<semaphore_mem>> -> memref<1x!tpu.dma_semaphore, #tpu.memory_space<semaphore_mem>>
      %dma_start3A_439 = tpu.memref_squeeze %dma_start3A_438 : memref<1x!tpu.dma_semaphore, #tpu.memory_space<semaphore_mem>> -> memref<!tpu.dma_semaphore, #tpu.memory_space<semaphore_mem>>
      tpu.enqueue_indirect_dma source(%arg12 : memref<40x128xf32, #tpu.memory_space<vmem>>) target(%dma_start3A_437 : memref<10000x128xf32, #tpu.memory_space<vmem_shared>>) offsets(%arg19 : memref<40xi32, #tpu.memory_space<vmem>>) semaphore(%dma_start3A_439 : memref<!tpu.dma_semaphore, #tpu.memory_space<semaphore_mem>>) {add = true}
      %mul3A_440 = arith.constant 7 : i32
      %mul3A_441 = arith.muli %scan3A_283, %mul3A_440 : i32
      %add3A_442 = arith.constant 6 : i32
      %add3A_443 = arith.addi %mul3A_441, %add3A_442 : i32
      %mul3A_444 = arith.constant 40 : i32
      %mul3A_445 = arith.muli %add3A_443, %mul3A_444 : i32
      %dma_wait3A_446 = arith.constant 6 : i32
      %dma_wait3A_447 = tpu.memref_slice %arg21[%mul3A_445] : memref<10000xi32, #tpu.memory_space<vmem>> -> memref<40xi32, #tpu.memory_space<vmem>>
      %dma_wait3A_448 = arith.constant 0 : i32
      %dma_wait3A_449 = arith.constant 0 : i32
      %dma_wait3A_450 = tpu.memref_slice %arg2[%dma_wait3A_448, %dma_wait3A_449] : memref<10000x128xf32, #tpu.memory_space<hbm>> -> memref<10000x128xf32, #tpu.memory_space<hbm>>
      %dma_wait3A_451 = tpu.memref_slice %arg23[%dma_wait3A_446] : memref<7x!tpu.dma_semaphore, #tpu.memory_space<semaphore_mem>> -> memref<1x!tpu.dma_semaphore, #tpu.memory_space<semaphore_mem>>
      %dma_wait3A_452 = tpu.memref_squeeze %dma_wait3A_451 : memref<1x!tpu.dma_semaphore, #tpu.memory_space<semaphore_mem>> -> memref<!tpu.dma_semaphore, #tpu.memory_space<semaphore_mem>>
      tpu.wait_indirect_dma semaphore(%dma_wait3A_452 : memref<!tpu.dma_semaphore, #tpu.memory_space<semaphore_mem>>) src(%dma_wait3A_450 : memref<10000x128xf32, #tpu.memory_space<hbm>>) dst(%arg13 : memref<40x128xf32, #tpu.memory_space<vmem>>)
      %dma_wait3A_453 = arith.constant 6 : i32
      %dma_wait3A_454 = arith.constant 0 : i32
      %dma_wait3A_455 = tpu.memref_slice %arg4[%dma_wait3A_454] : memref<320000xi32, #tpu.memory_space<hbm>> -> memref<40xi32, #tpu.memory_space<hbm>>
      %dma_wait3A_456 = tpu.memref_slice %arg22[%dma_wait3A_453] : memref<7x!tpu.dma_semaphore, #tpu.memory_space<semaphore_mem>> -> memref<1x!tpu.dma_semaphore, #tpu.memory_space<semaphore_mem>>
      %dma_wait3A_457 = tpu.memref_squeeze %dma_wait3A_456 : memref<1x!tpu.dma_semaphore, #tpu.memory_space<semaphore_mem>> -> memref<!tpu.dma_semaphore, #tpu.memory_space<semaphore_mem>>
      %dma_wait3A_458 = arith.constant 0 : i32
      %dma_wait3A_459 = tpu.memref_slice %arg4[%dma_wait3A_458] : memref<320000xi32, #tpu.memory_space<hbm>> -> memref<40xi32, #tpu.memory_space<hbm>>
      tpu.wait_dma2 semaphore(%dma_wait3A_457 : memref<!tpu.dma_semaphore, #tpu.memory_space<semaphore_mem>>) src(%dma_wait3A_459 : memref<40xi32, #tpu.memory_space<hbm>>) dst(%arg20 : memref<40xi32, #tpu.memory_space<vmem>>)
      %dma_start3A_460 = arith.constant 6 : i32
      %dma_start3A_461 = arith.constant 0 : i32
      %dma_start3A_462 = arith.constant 0 : i32
      %dma_start3A_463 = tpu.memref_slice %arg6[%dma_start3A_461, %dma_start3A_462] : memref<10000x128xf32, #tpu.memory_space<vmem_shared>> -> memref<10000x128xf32, #tpu.memory_space<vmem_shared>>
      %dma_start3A_464 = tpu.memref_slice %arg24[%dma_start3A_460] : memref<7x!tpu.dma_semaphore, #tpu.memory_space<semaphore_mem>> -> memref<1x!tpu.dma_semaphore, #tpu.memory_space<semaphore_mem>>
      %dma_start3A_465 = tpu.memref_squeeze %dma_start3A_464 : memref<1x!tpu.dma_semaphore, #tpu.memory_space<semaphore_mem>> -> memref<!tpu.dma_semaphore, #tpu.memory_space<semaphore_mem>>
      tpu.enqueue_indirect_dma source(%arg13 : memref<40x128xf32, #tpu.memory_space<vmem>>) target(%dma_start3A_463 : memref<10000x128xf32, #tpu.memory_space<vmem_shared>>) offsets(%arg20 : memref<40xi32, #tpu.memory_space<vmem>>) semaphore(%dma_start3A_465 : memref<!tpu.dma_semaphore, #tpu.memory_space<semaphore_mem>>) {add = true}
      %add3A_466 = arith.constant 1 : i32
      %add3A_467 = arith.addi %scan3A_283, %add3A_466 : i32
      %mul3A_468 = arith.constant 7 : i32
      %mul3A_469 = arith.muli %add3A_467, %mul3A_468 : i32
      %add3A_470 = arith.constant 0 : i32
      %add3A_471 = arith.addi %mul3A_469, %add3A_470 : i32
      %lt3A = arith.constant 250 : i32
      %lt3A_472 = arith.cmpi slt, %add3A_471, %lt3A : i32
      %convert_element_type3A = arith.extui %lt3A_472 : i1 to i32
      %cond3A = arith.constant 0 : i32
      %cond3A_473 = arith.cmpi ne, %convert_element_type3A, %cond3A : i32
      scf.if %cond3A_473 {
        %dma_wait3A_540 = arith.constant 0 : i32
        %dma_wait3A_541 = arith.constant 0 : i32
        %dma_wait3A_542 = arith.constant 0 : i32
        %dma_wait3A_543 = tpu.memref_slice %arg6[%dma_wait3A_541, %dma_wait3A_542] : memref<10000x128xf32, #tpu.memory_space<vmem_shared>> -> memref<10000x128xf32, #tpu.memory_space<vmem_shared>>
        %dma_wait3A_544 = tpu.memref_slice %arg24[%dma_wait3A_540] : memref<7x!tpu.dma_semaphore, #tpu.memory_space<semaphore_mem>> -> memref<1x!tpu.dma_semaphore, #tpu.memory_space<semaphore_mem>>
        %dma_wait3A_545 = tpu.memref_squeeze %dma_wait3A_544 : memref<1x!tpu.dma_semaphore, #tpu.memory_space<semaphore_mem>> -> memref<!tpu.dma_semaphore, #tpu.memory_space<semaphore_mem>>
        tpu.wait_indirect_dma semaphore(%dma_wait3A_545 : memref<!tpu.dma_semaphore, #tpu.memory_space<semaphore_mem>>) src(%arg7 : memref<40x128xf32, #tpu.memory_space<vmem>>) dst(%dma_wait3A_543 : memref<10000x128xf32, #tpu.memory_space<vmem_shared>>)
        %mul3A_546 = arith.constant 40 : i32
        %mul3A_547 = arith.muli %add3A_471, %mul3A_546 : i32
        %add3A_548 = arith.addi %mul3A_2, %mul3A_547 : i32
        %dma_start3A_549 = arith.constant 0 : i32
        %dma_start3A_550 = tpu.memref_slice %arg4[%add3A_548] : memref<320000xi32, #tpu.memory_space<hbm>> -> memref<40xi32, #tpu.memory_space<hbm>>
        %dma_start3A_551 = tpu.memref_slice %arg22[%dma_start3A_549] : memref<7x!tpu.dma_semaphore, #tpu.memory_space<semaphore_mem>> -> memref<1x!tpu.dma_semaphore, #tpu.memory_space<semaphore_mem>>
        %dma_start3A_552 = tpu.memref_squeeze %dma_start3A_551 : memref<1x!tpu.dma_semaphore, #tpu.memory_space<semaphore_mem>> -> memref<!tpu.dma_semaphore, #tpu.memory_space<semaphore_mem>>
        %dma_start3A_553 = tpu.memref_slice %arg4[%add3A_548] : memref<320000xi32, #tpu.memory_space<hbm>> -> memref<40xi32, #tpu.memory_space<hbm>>
        tpu.enqueue_dma source(%dma_start3A_553 : memref<40xi32, #tpu.memory_space<hbm>>) target(%arg14 : memref<40xi32, #tpu.memory_space<vmem>>) target_semaphore(%dma_start3A_552 : memref<!tpu.dma_semaphore, #tpu.memory_space<semaphore_mem>>)
        %mul3A_554 = arith.constant 40 : i32
        %mul3A_555 = arith.muli %add3A_471, %mul3A_554 : i32
        %dma_start3A_556 = arith.constant 0 : i32
        %dma_start3A_557 = tpu.memref_slice %arg21[%mul3A_555] : memref<10000xi32, #tpu.memory_space<vmem>> -> memref<40xi32, #tpu.memory_space<vmem>>
        %dma_start3A_558 = arith.constant 0 : i32
        %dma_start3A_559 = arith.constant 0 : i32
        %dma_start3A_560 = tpu.memref_slice %arg2[%dma_start3A_558, %dma_start3A_559] : memref<10000x128xf32, #tpu.memory_space<hbm>> -> memref<10000x128xf32, #tpu.memory_space<hbm>>
        %dma_start3A_561 = tpu.memref_slice %arg23[%dma_start3A_556] : memref<7x!tpu.dma_semaphore, #tpu.memory_space<semaphore_mem>> -> memref<1x!tpu.dma_semaphore, #tpu.memory_space<semaphore_mem>>
        %dma_start3A_562 = tpu.memref_squeeze %dma_start3A_561 : memref<1x!tpu.dma_semaphore, #tpu.memory_space<semaphore_mem>> -> memref<!tpu.dma_semaphore, #tpu.memory_space<semaphore_mem>>
        tpu.enqueue_indirect_dma source(%dma_start3A_560 : memref<10000x128xf32, #tpu.memory_space<hbm>>) target(%arg7 : memref<40x128xf32, #tpu.memory_space<vmem>>) offsets(%dma_start3A_557 : memref<40xi32, #tpu.memory_space<vmem>>) semaphore(%dma_start3A_562 : memref<!tpu.dma_semaphore, #tpu.memory_space<semaphore_mem>>)
      } else {
      }
      %add3A_474 = arith.constant 1 : i32
      %add3A_475 = arith.addi %scan3A_283, %add3A_474 : i32
      %mul3A_476 = arith.constant 7 : i32
      %mul3A_477 = arith.muli %add3A_475, %mul3A_476 : i32
      %add3A_478 = arith.constant 1 : i32
      %add3A_479 = arith.addi %mul3A_477, %add3A_478 : i32
      %lt3A_480 = arith.constant 250 : i32
      %lt3A_481 = arith.cmpi slt, %add3A_479, %lt3A_480 : i32
      %convert_element_type3A_482 = arith.extui %lt3A_481 : i1 to i32
      %cond3A_483 = arith.constant 0 : i32
      %cond3A_484 = arith.cmpi ne, %convert_element_type3A_482, %cond3A_483 : i32
      scf.if %cond3A_484 {
        %dma_wait3A_540 = arith.constant 1 : i32
        %dma_wait3A_541 = arith.constant 0 : i32
        %dma_wait3A_542 = arith.constant 0 : i32
        %dma_wait3A_543 = tpu.memref_slice %arg6[%dma_wait3A_541, %dma_wait3A_542] : memref<10000x128xf32, #tpu.memory_space<vmem_shared>> -> memref<10000x128xf32, #tpu.memory_space<vmem_shared>>
        %dma_wait3A_544 = tpu.memref_slice %arg24[%dma_wait3A_540] : memref<7x!tpu.dma_semaphore, #tpu.memory_space<semaphore_mem>> -> memref<1x!tpu.dma_semaphore, #tpu.memory_space<semaphore_mem>>
        %dma_wait3A_545 = tpu.memref_squeeze %dma_wait3A_544 : memref<1x!tpu.dma_semaphore, #tpu.memory_space<semaphore_mem>> -> memref<!tpu.dma_semaphore, #tpu.memory_space<semaphore_mem>>
        tpu.wait_indirect_dma semaphore(%dma_wait3A_545 : memref<!tpu.dma_semaphore, #tpu.memory_space<semaphore_mem>>) src(%arg8 : memref<40x128xf32, #tpu.memory_space<vmem>>) dst(%dma_wait3A_543 : memref<10000x128xf32, #tpu.memory_space<vmem_shared>>)
        %mul3A_546 = arith.constant 40 : i32
        %mul3A_547 = arith.muli %add3A_479, %mul3A_546 : i32
        %add3A_548 = arith.addi %mul3A_2, %mul3A_547 : i32
        %dma_start3A_549 = arith.constant 1 : i32
        %dma_start3A_550 = tpu.memref_slice %arg4[%add3A_548] : memref<320000xi32, #tpu.memory_space<hbm>> -> memref<40xi32, #tpu.memory_space<hbm>>
        %dma_start3A_551 = tpu.memref_slice %arg22[%dma_start3A_549] : memref<7x!tpu.dma_semaphore, #tpu.memory_space<semaphore_mem>> -> memref<1x!tpu.dma_semaphore, #tpu.memory_space<semaphore_mem>>
        %dma_start3A_552 = tpu.memref_squeeze %dma_start3A_551 : memref<1x!tpu.dma_semaphore, #tpu.memory_space<semaphore_mem>> -> memref<!tpu.dma_semaphore, #tpu.memory_space<semaphore_mem>>
        %dma_start3A_553 = tpu.memref_slice %arg4[%add3A_548] : memref<320000xi32, #tpu.memory_space<hbm>> -> memref<40xi32, #tpu.memory_space<hbm>>
        tpu.enqueue_dma source(%dma_start3A_553 : memref<40xi32, #tpu.memory_space<hbm>>) target(%arg15 : memref<40xi32, #tpu.memory_space<vmem>>) target_semaphore(%dma_start3A_552 : memref<!tpu.dma_semaphore, #tpu.memory_space<semaphore_mem>>)
        %mul3A_554 = arith.constant 40 : i32
        %mul3A_555 = arith.muli %add3A_479, %mul3A_554 : i32
        %dma_start3A_556 = arith.constant 1 : i32
        %dma_start3A_557 = tpu.memref_slice %arg21[%mul3A_555] : memref<10000xi32, #tpu.memory_space<vmem>> -> memref<40xi32, #tpu.memory_space<vmem>>
        %dma_start3A_558 = arith.constant 0 : i32
        %dma_start3A_559 = arith.constant 0 : i32
        %dma_start3A_560 = tpu.memref_slice %arg2[%dma_start3A_558, %dma_start3A_559] : memref<10000x128xf32, #tpu.memory_space<hbm>> -> memref<10000x128xf32, #tpu.memory_space<hbm>>
        %dma_start3A_561 = tpu.memref_slice %arg23[%dma_start3A_556] : memref<7x!tpu.dma_semaphore, #tpu.memory_space<semaphore_mem>> -> memref<1x!tpu.dma_semaphore, #tpu.memory_space<semaphore_mem>>
        %dma_start3A_562 = tpu.memref_squeeze %dma_start3A_561 : memref<1x!tpu.dma_semaphore, #tpu.memory_space<semaphore_mem>> -> memref<!tpu.dma_semaphore, #tpu.memory_space<semaphore_mem>>
        tpu.enqueue_indirect_dma source(%dma_start3A_560 : memref<10000x128xf32, #tpu.memory_space<hbm>>) target(%arg8 : memref<40x128xf32, #tpu.memory_space<vmem>>) offsets(%dma_start3A_557 : memref<40xi32, #tpu.memory_space<vmem>>) semaphore(%dma_start3A_562 : memref<!tpu.dma_semaphore, #tpu.memory_space<semaphore_mem>>)
      } else {
      }
      %add3A_485 = arith.constant 1 : i32
      %add3A_486 = arith.addi %scan3A_283, %add3A_485 : i32
      %mul3A_487 = arith.constant 7 : i32
      %mul3A_488 = arith.muli %add3A_486, %mul3A_487 : i32
      %add3A_489 = arith.constant 2 : i32
      %add3A_490 = arith.addi %mul3A_488, %add3A_489 : i32
      %lt3A_491 = arith.constant 250 : i32
      %lt3A_492 = arith.cmpi slt, %add3A_490, %lt3A_491 : i32
      %convert_element_type3A_493 = arith.extui %lt3A_492 : i1 to i32
      %cond3A_494 = arith.constant 0 : i32
      %cond3A_495 = arith.cmpi ne, %convert_element_type3A_493, %cond3A_494 : i32
      scf.if %cond3A_495 {
        %dma_wait3A_540 = arith.constant 2 : i32
        %dma_wait3A_541 = arith.constant 0 : i32
        %dma_wait3A_542 = arith.constant 0 : i32
        %dma_wait3A_543 = tpu.memref_slice %arg6[%dma_wait3A_541, %dma_wait3A_542] : memref<10000x128xf32, #tpu.memory_space<vmem_shared>> -> memref<10000x128xf32, #tpu.memory_space<vmem_shared>>
        %dma_wait3A_544 = tpu.memref_slice %arg24[%dma_wait3A_540] : memref<7x!tpu.dma_semaphore, #tpu.memory_space<semaphore_mem>> -> memref<1x!tpu.dma_semaphore, #tpu.memory_space<semaphore_mem>>
        %dma_wait3A_545 = tpu.memref_squeeze %dma_wait3A_544 : memref<1x!tpu.dma_semaphore, #tpu.memory_space<semaphore_mem>> -> memref<!tpu.dma_semaphore, #tpu.memory_space<semaphore_mem>>
        tpu.wait_indirect_dma semaphore(%dma_wait3A_545 : memref<!tpu.dma_semaphore, #tpu.memory_space<semaphore_mem>>) src(%arg9 : memref<40x128xf32, #tpu.memory_space<vmem>>) dst(%dma_wait3A_543 : memref<10000x128xf32, #tpu.memory_space<vmem_shared>>)
        %mul3A_546 = arith.constant 40 : i32
        %mul3A_547 = arith.muli %add3A_490, %mul3A_546 : i32
        %add3A_548 = arith.addi %mul3A_2, %mul3A_547 : i32
        %dma_start3A_549 = arith.constant 2 : i32
        %dma_start3A_550 = tpu.memref_slice %arg4[%add3A_548] : memref<320000xi32, #tpu.memory_space<hbm>> -> memref<40xi32, #tpu.memory_space<hbm>>
        %dma_start3A_551 = tpu.memref_slice %arg22[%dma_start3A_549] : memref<7x!tpu.dma_semaphore, #tpu.memory_space<semaphore_mem>> -> memref<1x!tpu.dma_semaphore, #tpu.memory_space<semaphore_mem>>
        %dma_start3A_552 = tpu.memref_squeeze %dma_start3A_551 : memref<1x!tpu.dma_semaphore, #tpu.memory_space<semaphore_mem>> -> memref<!tpu.dma_semaphore, #tpu.memory_space<semaphore_mem>>
        %dma_start3A_553 = tpu.memref_slice %arg4[%add3A_548] : memref<320000xi32, #tpu.memory_space<hbm>> -> memref<40xi32, #tpu.memory_space<hbm>>
        tpu.enqueue_dma source(%dma_start3A_553 : memref<40xi32, #tpu.memory_space<hbm>>) target(%arg16 : memref<40xi32, #tpu.memory_space<vmem>>) target_semaphore(%dma_start3A_552 : memref<!tpu.dma_semaphore, #tpu.memory_space<semaphore_mem>>)
        %mul3A_554 = arith.constant 40 : i32
        %mul3A_555 = arith.muli %add3A_490, %mul3A_554 : i32
        %dma_start3A_556 = arith.constant 2 : i32
        %dma_start3A_557 = tpu.memref_slice %arg21[%mul3A_555] : memref<10000xi32, #tpu.memory_space<vmem>> -> memref<40xi32, #tpu.memory_space<vmem>>
        %dma_start3A_558 = arith.constant 0 : i32
        %dma_start3A_559 = arith.constant 0 : i32
        %dma_start3A_560 = tpu.memref_slice %arg2[%dma_start3A_558, %dma_start3A_559] : memref<10000x128xf32, #tpu.memory_space<hbm>> -> memref<10000x128xf32, #tpu.memory_space<hbm>>
        %dma_start3A_561 = tpu.memref_slice %arg23[%dma_start3A_556] : memref<7x!tpu.dma_semaphore, #tpu.memory_space<semaphore_mem>> -> memref<1x!tpu.dma_semaphore, #tpu.memory_space<semaphore_mem>>
        %dma_start3A_562 = tpu.memref_squeeze %dma_start3A_561 : memref<1x!tpu.dma_semaphore, #tpu.memory_space<semaphore_mem>> -> memref<!tpu.dma_semaphore, #tpu.memory_space<semaphore_mem>>
        tpu.enqueue_indirect_dma source(%dma_start3A_560 : memref<10000x128xf32, #tpu.memory_space<hbm>>) target(%arg9 : memref<40x128xf32, #tpu.memory_space<vmem>>) offsets(%dma_start3A_557 : memref<40xi32, #tpu.memory_space<vmem>>) semaphore(%dma_start3A_562 : memref<!tpu.dma_semaphore, #tpu.memory_space<semaphore_mem>>)
      } else {
      }
      %add3A_496 = arith.constant 1 : i32
      %add3A_497 = arith.addi %scan3A_283, %add3A_496 : i32
      %mul3A_498 = arith.constant 7 : i32
      %mul3A_499 = arith.muli %add3A_497, %mul3A_498 : i32
      %add3A_500 = arith.constant 3 : i32
      %add3A_501 = arith.addi %mul3A_499, %add3A_500 : i32
      %lt3A_502 = arith.constant 250 : i32
      %lt3A_503 = arith.cmpi slt, %add3A_501, %lt3A_502 : i32
      %convert_element_type3A_504 = arith.extui %lt3A_503 : i1 to i32
      %cond3A_505 = arith.constant 0 : i32
      %cond3A_506 = arith.cmpi ne, %convert_element_type3A_504, %cond3A_505 : i32
      scf.if %cond3A_506 {
        %dma_wait3A_540 = arith.constant 3 : i32
        %dma_wait3A_541 = arith.constant 0 : i32
        %dma_wait3A_542 = arith.constant 0 : i32
        %dma_wait3A_543 = tpu.memref_slice %arg6[%dma_wait3A_541, %dma_wait3A_542] : memref<10000x128xf32, #tpu.memory_space<vmem_shared>> -> memref<10000x128xf32, #tpu.memory_space<vmem_shared>>
        %dma_wait3A_544 = tpu.memref_slice %arg24[%dma_wait3A_540] : memref<7x!tpu.dma_semaphore, #tpu.memory_space<semaphore_mem>> -> memref<1x!tpu.dma_semaphore, #tpu.memory_space<semaphore_mem>>
        %dma_wait3A_545 = tpu.memref_squeeze %dma_wait3A_544 : memref<1x!tpu.dma_semaphore, #tpu.memory_space<semaphore_mem>> -> memref<!tpu.dma_semaphore, #tpu.memory_space<semaphore_mem>>
        tpu.wait_indirect_dma semaphore(%dma_wait3A_545 : memref<!tpu.dma_semaphore, #tpu.memory_space<semaphore_mem>>) src(%arg10 : memref<40x128xf32, #tpu.memory_space<vmem>>) dst(%dma_wait3A_543 : memref<10000x128xf32, #tpu.memory_space<vmem_shared>>)
        %mul3A_546 = arith.constant 40 : i32
        %mul3A_547 = arith.muli %add3A_501, %mul3A_546 : i32
        %add3A_548 = arith.addi %mul3A_2, %mul3A_547 : i32
        %dma_start3A_549 = arith.constant 3 : i32
        %dma_start3A_550 = tpu.memref_slice %arg4[%add3A_548] : memref<320000xi32, #tpu.memory_space<hbm>> -> memref<40xi32, #tpu.memory_space<hbm>>
        %dma_start3A_551 = tpu.memref_slice %arg22[%dma_start3A_549] : memref<7x!tpu.dma_semaphore, #tpu.memory_space<semaphore_mem>> -> memref<1x!tpu.dma_semaphore, #tpu.memory_space<semaphore_mem>>
        %dma_start3A_552 = tpu.memref_squeeze %dma_start3A_551 : memref<1x!tpu.dma_semaphore, #tpu.memory_space<semaphore_mem>> -> memref<!tpu.dma_semaphore, #tpu.memory_space<semaphore_mem>>
        %dma_start3A_553 = tpu.memref_slice %arg4[%add3A_548] : memref<320000xi32, #tpu.memory_space<hbm>> -> memref<40xi32, #tpu.memory_space<hbm>>
        tpu.enqueue_dma source(%dma_start3A_553 : memref<40xi32, #tpu.memory_space<hbm>>) target(%arg17 : memref<40xi32, #tpu.memory_space<vmem>>) target_semaphore(%dma_start3A_552 : memref<!tpu.dma_semaphore, #tpu.memory_space<semaphore_mem>>)
        %mul3A_554 = arith.constant 40 : i32
        %mul3A_555 = arith.muli %add3A_501, %mul3A_554 : i32
        %dma_start3A_556 = arith.constant 3 : i32
        %dma_start3A_557 = tpu.memref_slice %arg21[%mul3A_555] : memref<10000xi32, #tpu.memory_space<vmem>> -> memref<40xi32, #tpu.memory_space<vmem>>
        %dma_start3A_558 = arith.constant 0 : i32
        %dma_start3A_559 = arith.constant 0 : i32
        %dma_start3A_560 = tpu.memref_slice %arg2[%dma_start3A_558, %dma_start3A_559] : memref<10000x128xf32, #tpu.memory_space<hbm>> -> memref<10000x128xf32, #tpu.memory_space<hbm>>
        %dma_start3A_561 = tpu.memref_slice %arg23[%dma_start3A_556] : memref<7x!tpu.dma_semaphore, #tpu.memory_space<semaphore_mem>> -> memref<1x!tpu.dma_semaphore, #tpu.memory_space<semaphore_mem>>
        %dma_start3A_562 = tpu.memref_squeeze %dma_start3A_561 : memref<1x!tpu.dma_semaphore, #tpu.memory_space<semaphore_mem>> -> memref<!tpu.dma_semaphore, #tpu.memory_space<semaphore_mem>>
        tpu.enqueue_indirect_dma source(%dma_start3A_560 : memref<10000x128xf32, #tpu.memory_space<hbm>>) target(%arg10 : memref<40x128xf32, #tpu.memory_space<vmem>>) offsets(%dma_start3A_557 : memref<40xi32, #tpu.memory_space<vmem>>) semaphore(%dma_start3A_562 : memref<!tpu.dma_semaphore, #tpu.memory_space<semaphore_mem>>)
      } else {
      }
      %add3A_507 = arith.constant 1 : i32
      %add3A_508 = arith.addi %scan3A_283, %add3A_507 : i32
      %mul3A_509 = arith.constant 7 : i32
      %mul3A_510 = arith.muli %add3A_508, %mul3A_509 : i32
      %add3A_511 = arith.constant 4 : i32
      %add3A_512 = arith.addi %mul3A_510, %add3A_511 : i32
      %lt3A_513 = arith.constant 250 : i32
      %lt3A_514 = arith.cmpi slt, %add3A_512, %lt3A_513 : i32
      %convert_element_type3A_515 = arith.extui %lt3A_514 : i1 to i32
      %cond3A_516 = arith.constant 0 : i32
      %cond3A_517 = arith.cmpi ne, %convert_element_type3A_515, %cond3A_516 : i32
      scf.if %cond3A_517 {
        %dma_wait3A_540 = arith.constant 4 : i32
        %dma_wait3A_541 = arith.constant 0 : i32
        %dma_wait3A_542 = arith.constant 0 : i32
        %dma_wait3A_543 = tpu.memref_slice %arg6[%dma_wait3A_541, %dma_wait3A_542] : memref<10000x128xf32, #tpu.memory_space<vmem_shared>> -> memref<10000x128xf32, #tpu.memory_space<vmem_shared>>
        %dma_wait3A_544 = tpu.memref_slice %arg24[%dma_wait3A_540] : memref<7x!tpu.dma_semaphore, #tpu.memory_space<semaphore_mem>> -> memref<1x!tpu.dma_semaphore, #tpu.memory_space<semaphore_mem>>
        %dma_wait3A_545 = tpu.memref_squeeze %dma_wait3A_544 : memref<1x!tpu.dma_semaphore, #tpu.memory_space<semaphore_mem>> -> memref<!tpu.dma_semaphore, #tpu.memory_space<semaphore_mem>>
        tpu.wait_indirect_dma semaphore(%dma_wait3A_545 : memref<!tpu.dma_semaphore, #tpu.memory_space<semaphore_mem>>) src(%arg11 : memref<40x128xf32, #tpu.memory_space<vmem>>) dst(%dma_wait3A_543 : memref<10000x128xf32, #tpu.memory_space<vmem_shared>>)
        %mul3A_546 = arith.constant 40 : i32
        %mul3A_547 = arith.muli %add3A_512, %mul3A_546 : i32
        %add3A_548 = arith.addi %mul3A_2, %mul3A_547 : i32
        %dma_start3A_549 = arith.constant 4 : i32
        %dma_start3A_550 = tpu.memref_slice %arg4[%add3A_548] : memref<320000xi32, #tpu.memory_space<hbm>> -> memref<40xi32, #tpu.memory_space<hbm>>
        %dma_start3A_551 = tpu.memref_slice %arg22[%dma_start3A_549] : memref<7x!tpu.dma_semaphore, #tpu.memory_space<semaphore_mem>> -> memref<1x!tpu.dma_semaphore, #tpu.memory_space<semaphore_mem>>
        %dma_start3A_552 = tpu.memref_squeeze %dma_start3A_551 : memref<1x!tpu.dma_semaphore, #tpu.memory_space<semaphore_mem>> -> memref<!tpu.dma_semaphore, #tpu.memory_space<semaphore_mem>>
        %dma_start3A_553 = tpu.memref_slice %arg4[%add3A_548] : memref<320000xi32, #tpu.memory_space<hbm>> -> memref<40xi32, #tpu.memory_space<hbm>>
        tpu.enqueue_dma source(%dma_start3A_553 : memref<40xi32, #tpu.memory_space<hbm>>) target(%arg18 : memref<40xi32, #tpu.memory_space<vmem>>) target_semaphore(%dma_start3A_552 : memref<!tpu.dma_semaphore, #tpu.memory_space<semaphore_mem>>)
        %mul3A_554 = arith.constant 40 : i32
        %mul3A_555 = arith.muli %add3A_512, %mul3A_554 : i32
        %dma_start3A_556 = arith.constant 4 : i32
        %dma_start3A_557 = tpu.memref_slice %arg21[%mul3A_555] : memref<10000xi32, #tpu.memory_space<vmem>> -> memref<40xi32, #tpu.memory_space<vmem>>
        %dma_start3A_558 = arith.constant 0 : i32
        %dma_start3A_559 = arith.constant 0 : i32
        %dma_start3A_560 = tpu.memref_slice %arg2[%dma_start3A_558, %dma_start3A_559] : memref<10000x128xf32, #tpu.memory_space<hbm>> -> memref<10000x128xf32, #tpu.memory_space<hbm>>
        %dma_start3A_561 = tpu.memref_slice %arg23[%dma_start3A_556] : memref<7x!tpu.dma_semaphore, #tpu.memory_space<semaphore_mem>> -> memref<1x!tpu.dma_semaphore, #tpu.memory_space<semaphore_mem>>
        %dma_start3A_562 = tpu.memref_squeeze %dma_start3A_561 : memref<1x!tpu.dma_semaphore, #tpu.memory_space<semaphore_mem>> -> memref<!tpu.dma_semaphore, #tpu.memory_space<semaphore_mem>>
        tpu.enqueue_indirect_dma source(%dma_start3A_560 : memref<10000x128xf32, #tpu.memory_space<hbm>>) target(%arg11 : memref<40x128xf32, #tpu.memory_space<vmem>>) offsets(%dma_start3A_557 : memref<40xi32, #tpu.memory_space<vmem>>) semaphore(%dma_start3A_562 : memref<!tpu.dma_semaphore, #tpu.memory_space<semaphore_mem>>)
      } else {
      }
      %add3A_518 = arith.constant 1 : i32
      %add3A_519 = arith.addi %scan3A_283, %add3A_518 : i32
      %mul3A_520 = arith.constant 7 : i32
      %mul3A_521 = arith.muli %add3A_519, %mul3A_520 : i32
      %add3A_522 = arith.constant 5 : i32
      %add3A_523 = arith.addi %mul3A_521, %add3A_522 : i32
      %lt3A_524 = arith.constant 250 : i32
      %lt3A_525 = arith.cmpi slt, %add3A_523, %lt3A_524 : i32
      %convert_element_type3A_526 = arith.extui %lt3A_525 : i1 to i32
      %cond3A_527 = arith.constant 0 : i32
      %cond3A_528 = arith.cmpi ne, %convert_element_type3A_526, %cond3A_527 : i32
      scf.if %cond3A_528 {
        %dma_wait3A_540 = arith.constant 5 : i32
        %dma_wait3A_541 = arith.constant 0 : i32
        %dma_wait3A_542 = arith.constant 0 : i32
        %dma_wait3A_543 = tpu.memref_slice %arg6[%dma_wait3A_541, %dma_wait3A_542] : memref<10000x128xf32, #tpu.memory_space<vmem_shared>> -> memref<10000x128xf32, #tpu.memory_space<vmem_shared>>
        %dma_wait3A_544 = tpu.memref_slice %arg24[%dma_wait3A_540] : memref<7x!tpu.dma_semaphore, #tpu.memory_space<semaphore_mem>> -> memref<1x!tpu.dma_semaphore, #tpu.memory_space<semaphore_mem>>
        %dma_wait3A_545 = tpu.memref_squeeze %dma_wait3A_544 : memref<1x!tpu.dma_semaphore, #tpu.memory_space<semaphore_mem>> -> memref<!tpu.dma_semaphore, #tpu.memory_space<semaphore_mem>>
        tpu.wait_indirect_dma semaphore(%dma_wait3A_545 : memref<!tpu.dma_semaphore, #tpu.memory_space<semaphore_mem>>) src(%arg12 : memref<40x128xf32, #tpu.memory_space<vmem>>) dst(%dma_wait3A_543 : memref<10000x128xf32, #tpu.memory_space<vmem_shared>>)
        %mul3A_546 = arith.constant 40 : i32
        %mul3A_547 = arith.muli %add3A_523, %mul3A_546 : i32
        %add3A_548 = arith.addi %mul3A_2, %mul3A_547 : i32
        %dma_start3A_549 = arith.constant 5 : i32
        %dma_start3A_550 = tpu.memref_slice %arg4[%add3A_548] : memref<320000xi32, #tpu.memory_space<hbm>> -> memref<40xi32, #tpu.memory_space<hbm>>
        %dma_start3A_551 = tpu.memref_slice %arg22[%dma_start3A_549] : memref<7x!tpu.dma_semaphore, #tpu.memory_space<semaphore_mem>> -> memref<1x!tpu.dma_semaphore, #tpu.memory_space<semaphore_mem>>
        %dma_start3A_552 = tpu.memref_squeeze %dma_start3A_551 : memref<1x!tpu.dma_semaphore, #tpu.memory_space<semaphore_mem>> -> memref<!tpu.dma_semaphore, #tpu.memory_space<semaphore_mem>>
        %dma_start3A_553 = tpu.memref_slice %arg4[%add3A_548] : memref<320000xi32, #tpu.memory_space<hbm>> -> memref<40xi32, #tpu.memory_space<hbm>>
        tpu.enqueue_dma source(%dma_start3A_553 : memref<40xi32, #tpu.memory_space<hbm>>) target(%arg19 : memref<40xi32, #tpu.memory_space<vmem>>) target_semaphore(%dma_start3A_552 : memref<!tpu.dma_semaphore, #tpu.memory_space<semaphore_mem>>)
        %mul3A_554 = arith.constant 40 : i32
        %mul3A_555 = arith.muli %add3A_523, %mul3A_554 : i32
        %dma_start3A_556 = arith.constant 5 : i32
        %dma_start3A_557 = tpu.memref_slice %arg21[%mul3A_555] : memref<10000xi32, #tpu.memory_space<vmem>> -> memref<40xi32, #tpu.memory_space<vmem>>
        %dma_start3A_558 = arith.constant 0 : i32
        %dma_start3A_559 = arith.constant 0 : i32
        %dma_start3A_560 = tpu.memref_slice %arg2[%dma_start3A_558, %dma_start3A_559] : memref<10000x128xf32, #tpu.memory_space<hbm>> -> memref<10000x128xf32, #tpu.memory_space<hbm>>
        %dma_start3A_561 = tpu.memref_slice %arg23[%dma_start3A_556] : memref<7x!tpu.dma_semaphore, #tpu.memory_space<semaphore_mem>> -> memref<1x!tpu.dma_semaphore, #tpu.memory_space<semaphore_mem>>
        %dma_start3A_562 = tpu.memref_squeeze %dma_start3A_561 : memref<1x!tpu.dma_semaphore, #tpu.memory_space<semaphore_mem>> -> memref<!tpu.dma_semaphore, #tpu.memory_space<semaphore_mem>>
        tpu.enqueue_indirect_dma source(%dma_start3A_560 : memref<10000x128xf32, #tpu.memory_space<hbm>>) target(%arg12 : memref<40x128xf32, #tpu.memory_space<vmem>>) offsets(%dma_start3A_557 : memref<40xi32, #tpu.memory_space<vmem>>) semaphore(%dma_start3A_562 : memref<!tpu.dma_semaphore, #tpu.memory_space<semaphore_mem>>)
      } else {
      }
      %add3A_529 = arith.constant 1 : i32
      %add3A_530 = arith.addi %scan3A_283, %add3A_529 : i32
      %mul3A_531 = arith.constant 7 : i32
      %mul3A_532 = arith.muli %add3A_530, %mul3A_531 : i32
      %add3A_533 = arith.constant 6 : i32
      %add3A_534 = arith.addi %mul3A_532, %add3A_533 : i32
      %lt3A_535 = arith.constant 250 : i32
      %lt3A_536 = arith.cmpi slt, %add3A_534, %lt3A_535 : i32
      %convert_element_type3A_537 = arith.extui %lt3A_536 : i1 to i32
      %cond3A_538 = arith.constant 0 : i32
      %cond3A_539 = arith.cmpi ne, %convert_element_type3A_537, %cond3A_538 : i32
      scf.if %cond3A_539 {
        %dma_wait3A_540 = arith.constant 6 : i32
        %dma_wait3A_541 = arith.constant 0 : i32
        %dma_wait3A_542 = arith.constant 0 : i32
        %dma_wait3A_543 = tpu.memref_slice %arg6[%dma_wait3A_541, %dma_wait3A_542] : memref<10000x128xf32, #tpu.memory_space<vmem_shared>> -> memref<10000x128xf32, #tpu.memory_space<vmem_shared>>
        %dma_wait3A_544 = tpu.memref_slice %arg24[%dma_wait3A_540] : memref<7x!tpu.dma_semaphore, #tpu.memory_space<semaphore_mem>> -> memref<1x!tpu.dma_semaphore, #tpu.memory_space<semaphore_mem>>
        %dma_wait3A_545 = tpu.memref_squeeze %dma_wait3A_544 : memref<1x!tpu.dma_semaphore, #tpu.memory_space<semaphore_mem>> -> memref<!tpu.dma_semaphore, #tpu.memory_space<semaphore_mem>>
        tpu.wait_indirect_dma semaphore(%dma_wait3A_545 : memref<!tpu.dma_semaphore, #tpu.memory_space<semaphore_mem>>) src(%arg13 : memref<40x128xf32, #tpu.memory_space<vmem>>) dst(%dma_wait3A_543 : memref<10000x128xf32, #tpu.memory_space<vmem_shared>>)
        %mul3A_546 = arith.constant 40 : i32
        %mul3A_547 = arith.muli %add3A_534, %mul3A_546 : i32
        %add3A_548 = arith.addi %mul3A_2, %mul3A_547 : i32
        %dma_start3A_549 = arith.constant 6 : i32
        %dma_start3A_550 = tpu.memref_slice %arg4[%add3A_548] : memref<320000xi32, #tpu.memory_space<hbm>> -> memref<40xi32, #tpu.memory_space<hbm>>
        %dma_start3A_551 = tpu.memref_slice %arg22[%dma_start3A_549] : memref<7x!tpu.dma_semaphore, #tpu.memory_space<semaphore_mem>> -> memref<1x!tpu.dma_semaphore, #tpu.memory_space<semaphore_mem>>
        %dma_start3A_552 = tpu.memref_squeeze %dma_start3A_551 : memref<1x!tpu.dma_semaphore, #tpu.memory_space<semaphore_mem>> -> memref<!tpu.dma_semaphore, #tpu.memory_space<semaphore_mem>>
        %dma_start3A_553 = tpu.memref_slice %arg4[%add3A_548] : memref<320000xi32, #tpu.memory_space<hbm>> -> memref<40xi32, #tpu.memory_space<hbm>>
        tpu.enqueue_dma source(%dma_start3A_553 : memref<40xi32, #tpu.memory_space<hbm>>) target(%arg20 : memref<40xi32, #tpu.memory_space<vmem>>) target_semaphore(%dma_start3A_552 : memref<!tpu.dma_semaphore, #tpu.memory_space<semaphore_mem>>)
        %mul3A_554 = arith.constant 40 : i32
        %mul3A_555 = arith.muli %add3A_534, %mul3A_554 : i32
        %dma_start3A_556 = arith.constant 6 : i32
        %dma_start3A_557 = tpu.memref_slice %arg21[%mul3A_555] : memref<10000xi32, #tpu.memory_space<vmem>> -> memref<40xi32, #tpu.memory_space<vmem>>
        %dma_start3A_558 = arith.constant 0 : i32
        %dma_start3A_559 = arith.constant 0 : i32
        %dma_start3A_560 = tpu.memref_slice %arg2[%dma_start3A_558, %dma_start3A_559] : memref<10000x128xf32, #tpu.memory_space<hbm>> -> memref<10000x128xf32, #tpu.memory_space<hbm>>
        %dma_start3A_561 = tpu.memref_slice %arg23[%dma_start3A_556] : memref<7x!tpu.dma_semaphore, #tpu.memory_space<semaphore_mem>> -> memref<1x!tpu.dma_semaphore, #tpu.memory_space<semaphore_mem>>
        %dma_start3A_562 = tpu.memref_squeeze %dma_start3A_561 : memref<1x!tpu.dma_semaphore, #tpu.memory_space<semaphore_mem>> -> memref<!tpu.dma_semaphore, #tpu.memory_space<semaphore_mem>>
        tpu.enqueue_indirect_dma source(%dma_start3A_560 : memref<10000x128xf32, #tpu.memory_space<hbm>>) target(%arg13 : memref<40x128xf32, #tpu.memory_space<vmem>>) offsets(%dma_start3A_557 : memref<40xi32, #tpu.memory_space<vmem>>) semaphore(%dma_start3A_562 : memref<!tpu.dma_semaphore, #tpu.memory_space<semaphore_mem>>)
      } else {
      }
    }
    %scan3A_125 = arith.constant 35 : i32
    %dma_wait3A = arith.constant 0 : i32
    %dma_wait3A_126 = arith.constant 9800 : i32
    %dma_wait3A_127 = tpu.memref_slice %arg21[%dma_wait3A_126] : memref<10000xi32, #tpu.memory_space<vmem>> -> memref<40xi32, #tpu.memory_space<vmem>>
    %dma_wait3A_128 = arith.constant 0 : i32
    %dma_wait3A_129 = arith.constant 0 : i32
    %dma_wait3A_130 = tpu.memref_slice %arg2[%dma_wait3A_128, %dma_wait3A_129] : memref<10000x128xf32, #tpu.memory_space<hbm>> -> memref<10000x128xf32, #tpu.memory_space<hbm>>
    %dma_wait3A_131 = tpu.memref_slice %arg23[%dma_wait3A] : memref<7x!tpu.dma_semaphore, #tpu.memory_space<semaphore_mem>> -> memref<1x!tpu.dma_semaphore, #tpu.memory_space<semaphore_mem>>
    %dma_wait3A_132 = tpu.memref_squeeze %dma_wait3A_131 : memref<1x!tpu.dma_semaphore, #tpu.memory_space<semaphore_mem>> -> memref<!tpu.dma_semaphore, #tpu.memory_space<semaphore_mem>>
    tpu.wait_indirect_dma semaphore(%dma_wait3A_132 : memref<!tpu.dma_semaphore, #tpu.memory_space<semaphore_mem>>) src(%dma_wait3A_130 : memref<10000x128xf32, #tpu.memory_space<hbm>>) dst(%arg7 : memref<40x128xf32, #tpu.memory_space<vmem>>)
    %dma_wait3A_133 = arith.constant 0 : i32
    %dma_wait3A_134 = arith.constant 0 : i32
    %dma_wait3A_135 = tpu.memref_slice %arg4[%dma_wait3A_134] : memref<320000xi32, #tpu.memory_space<hbm>> -> memref<40xi32, #tpu.memory_space<hbm>>
    %dma_wait3A_136 = tpu.memref_slice %arg22[%dma_wait3A_133] : memref<7x!tpu.dma_semaphore, #tpu.memory_space<semaphore_mem>> -> memref<1x!tpu.dma_semaphore, #tpu.memory_space<semaphore_mem>>
    %dma_wait3A_137 = tpu.memref_squeeze %dma_wait3A_136 : memref<1x!tpu.dma_semaphore, #tpu.memory_space<semaphore_mem>> -> memref<!tpu.dma_semaphore, #tpu.memory_space<semaphore_mem>>
    %dma_wait3A_138 = arith.constant 0 : i32
    %dma_wait3A_139 = tpu.memref_slice %arg4[%dma_wait3A_138] : memref<320000xi32, #tpu.memory_space<hbm>> -> memref<40xi32, #tpu.memory_space<hbm>>
    tpu.wait_dma2 semaphore(%dma_wait3A_137 : memref<!tpu.dma_semaphore, #tpu.memory_space<semaphore_mem>>) src(%dma_wait3A_139 : memref<40xi32, #tpu.memory_space<hbm>>) dst(%arg14 : memref<40xi32, #tpu.memory_space<vmem>>)
    %dma_start3A_140 = arith.constant 0 : i32
    %dma_start3A_141 = arith.constant 0 : i32
    %dma_start3A_142 = arith.constant 0 : i32
    %dma_start3A_143 = tpu.memref_slice %arg6[%dma_start3A_141, %dma_start3A_142] : memref<10000x128xf32, #tpu.memory_space<vmem_shared>> -> memref<10000x128xf32, #tpu.memory_space<vmem_shared>>
    %dma_start3A_144 = tpu.memref_slice %arg24[%dma_start3A_140] : memref<7x!tpu.dma_semaphore, #tpu.memory_space<semaphore_mem>> -> memref<1x!tpu.dma_semaphore, #tpu.memory_space<semaphore_mem>>
    %dma_start3A_145 = tpu.memref_squeeze %dma_start3A_144 : memref<1x!tpu.dma_semaphore, #tpu.memory_space<semaphore_mem>> -> memref<!tpu.dma_semaphore, #tpu.memory_space<semaphore_mem>>
    tpu.enqueue_indirect_dma source(%arg7 : memref<40x128xf32, #tpu.memory_space<vmem>>) target(%dma_start3A_143 : memref<10000x128xf32, #tpu.memory_space<vmem_shared>>) offsets(%arg14 : memref<40xi32, #tpu.memory_space<vmem>>) semaphore(%dma_start3A_145 : memref<!tpu.dma_semaphore, #tpu.memory_space<semaphore_mem>>) {add = true}
    %dma_wait3A_146 = arith.constant 1 : i32
    %dma_wait3A_147 = arith.constant 9840 : i32
    %dma_wait3A_148 = tpu.memref_slice %arg21[%dma_wait3A_147] : memref<10000xi32, #tpu.memory_space<vmem>> -> memref<40xi32, #tpu.memory_space<vmem>>
    %dma_wait3A_149 = arith.constant 0 : i32
    %dma_wait3A_150 = arith.constant 0 : i32
    %dma_wait3A_151 = tpu.memref_slice %arg2[%dma_wait3A_149, %dma_wait3A_150] : memref<10000x128xf32, #tpu.memory_space<hbm>> -> memref<10000x128xf32, #tpu.memory_space<hbm>>
    %dma_wait3A_152 = tpu.memref_slice %arg23[%dma_wait3A_146] : memref<7x!tpu.dma_semaphore, #tpu.memory_space<semaphore_mem>> -> memref<1x!tpu.dma_semaphore, #tpu.memory_space<semaphore_mem>>
    %dma_wait3A_153 = tpu.memref_squeeze %dma_wait3A_152 : memref<1x!tpu.dma_semaphore, #tpu.memory_space<semaphore_mem>> -> memref<!tpu.dma_semaphore, #tpu.memory_space<semaphore_mem>>
    tpu.wait_indirect_dma semaphore(%dma_wait3A_153 : memref<!tpu.dma_semaphore, #tpu.memory_space<semaphore_mem>>) src(%dma_wait3A_151 : memref<10000x128xf32, #tpu.memory_space<hbm>>) dst(%arg8 : memref<40x128xf32, #tpu.memory_space<vmem>>)
    %dma_wait3A_154 = arith.constant 1 : i32
    %dma_wait3A_155 = arith.constant 0 : i32
    %dma_wait3A_156 = tpu.memref_slice %arg4[%dma_wait3A_155] : memref<320000xi32, #tpu.memory_space<hbm>> -> memref<40xi32, #tpu.memory_space<hbm>>
    %dma_wait3A_157 = tpu.memref_slice %arg22[%dma_wait3A_154] : memref<7x!tpu.dma_semaphore, #tpu.memory_space<semaphore_mem>> -> memref<1x!tpu.dma_semaphore, #tpu.memory_space<semaphore_mem>>
    %dma_wait3A_158 = tpu.memref_squeeze %dma_wait3A_157 : memref<1x!tpu.dma_semaphore, #tpu.memory_space<semaphore_mem>> -> memref<!tpu.dma_semaphore, #tpu.memory_space<semaphore_mem>>
    %dma_wait3A_159 = arith.constant 0 : i32
    %dma_wait3A_160 = tpu.memref_slice %arg4[%dma_wait3A_159] : memref<320000xi32, #tpu.memory_space<hbm>> -> memref<40xi32, #tpu.memory_space<hbm>>
    tpu.wait_dma2 semaphore(%dma_wait3A_158 : memref<!tpu.dma_semaphore, #tpu.memory_space<semaphore_mem>>) src(%dma_wait3A_160 : memref<40xi32, #tpu.memory_space<hbm>>) dst(%arg15 : memref<40xi32, #tpu.memory_space<vmem>>)
    %dma_start3A_161 = arith.constant 1 : i32
    %dma_start3A_162 = arith.constant 0 : i32
    %dma_start3A_163 = arith.constant 0 : i32
    %dma_start3A_164 = tpu.memref_slice %arg6[%dma_start3A_162, %dma_start3A_163] : memref<10000x128xf32, #tpu.memory_space<vmem_shared>> -> memref<10000x128xf32, #tpu.memory_space<vmem_shared>>
    %dma_start3A_165 = tpu.memref_slice %arg24[%dma_start3A_161] : memref<7x!tpu.dma_semaphore, #tpu.memory_space<semaphore_mem>> -> memref<1x!tpu.dma_semaphore, #tpu.memory_space<semaphore_mem>>
    %dma_start3A_166 = tpu.memref_squeeze %dma_start3A_165 : memref<1x!tpu.dma_semaphore, #tpu.memory_space<semaphore_mem>> -> memref<!tpu.dma_semaphore, #tpu.memory_space<semaphore_mem>>
    tpu.enqueue_indirect_dma source(%arg8 : memref<40x128xf32, #tpu.memory_space<vmem>>) target(%dma_start3A_164 : memref<10000x128xf32, #tpu.memory_space<vmem_shared>>) offsets(%arg15 : memref<40xi32, #tpu.memory_space<vmem>>) semaphore(%dma_start3A_166 : memref<!tpu.dma_semaphore, #tpu.memory_space<semaphore_mem>>) {add = true}
    %dma_wait3A_167 = arith.constant 2 : i32
    %dma_wait3A_168 = arith.constant 9880 : i32
    %dma_wait3A_169 = tpu.memref_slice %arg21[%dma_wait3A_168] : memref<10000xi32, #tpu.memory_space<vmem>> -> memref<40xi32, #tpu.memory_space<vmem>>
    %dma_wait3A_170 = arith.constant 0 : i32
    %dma_wait3A_171 = arith.constant 0 : i32
    %dma_wait3A_172 = tpu.memref_slice %arg2[%dma_wait3A_170, %dma_wait3A_171] : memref<10000x128xf32, #tpu.memory_space<hbm>> -> memref<10000x128xf32, #tpu.memory_space<hbm>>
    %dma_wait3A_173 = tpu.memref_slice %arg23[%dma_wait3A_167] : memref<7x!tpu.dma_semaphore, #tpu.memory_space<semaphore_mem>> -> memref<1x!tpu.dma_semaphore, #tpu.memory_space<semaphore_mem>>
    %dma_wait3A_174 = tpu.memref_squeeze %dma_wait3A_173 : memref<1x!tpu.dma_semaphore, #tpu.memory_space<semaphore_mem>> -> memref<!tpu.dma_semaphore, #tpu.memory_space<semaphore_mem>>
    tpu.wait_indirect_dma semaphore(%dma_wait3A_174 : memref<!tpu.dma_semaphore, #tpu.memory_space<semaphore_mem>>) src(%dma_wait3A_172 : memref<10000x128xf32, #tpu.memory_space<hbm>>) dst(%arg9 : memref<40x128xf32, #tpu.memory_space<vmem>>)
    %dma_wait3A_175 = arith.constant 2 : i32
    %dma_wait3A_176 = arith.constant 0 : i32
    %dma_wait3A_177 = tpu.memref_slice %arg4[%dma_wait3A_176] : memref<320000xi32, #tpu.memory_space<hbm>> -> memref<40xi32, #tpu.memory_space<hbm>>
    %dma_wait3A_178 = tpu.memref_slice %arg22[%dma_wait3A_175] : memref<7x!tpu.dma_semaphore, #tpu.memory_space<semaphore_mem>> -> memref<1x!tpu.dma_semaphore, #tpu.memory_space<semaphore_mem>>
    %dma_wait3A_179 = tpu.memref_squeeze %dma_wait3A_178 : memref<1x!tpu.dma_semaphore, #tpu.memory_space<semaphore_mem>> -> memref<!tpu.dma_semaphore, #tpu.memory_space<semaphore_mem>>
    %dma_wait3A_180 = arith.constant 0 : i32
    %dma_wait3A_181 = tpu.memref_slice %arg4[%dma_wait3A_180] : memref<320000xi32, #tpu.memory_space<hbm>> -> memref<40xi32, #tpu.memory_space<hbm>>
    tpu.wait_dma2 semaphore(%dma_wait3A_179 : memref<!tpu.dma_semaphore, #tpu.memory_space<semaphore_mem>>) src(%dma_wait3A_181 : memref<40xi32, #tpu.memory_space<hbm>>) dst(%arg16 : memref<40xi32, #tpu.memory_space<vmem>>)
    %dma_start3A_182 = arith.constant 2 : i32
    %dma_start3A_183 = arith.constant 0 : i32
    %dma_start3A_184 = arith.constant 0 : i32
    %dma_start3A_185 = tpu.memref_slice %arg6[%dma_start3A_183, %dma_start3A_184] : memref<10000x128xf32, #tpu.memory_space<vmem_shared>> -> memref<10000x128xf32, #tpu.memory_space<vmem_shared>>
    %dma_start3A_186 = tpu.memref_slice %arg24[%dma_start3A_182] : memref<7x!tpu.dma_semaphore, #tpu.memory_space<semaphore_mem>> -> memref<1x!tpu.dma_semaphore, #tpu.memory_space<semaphore_mem>>
    %dma_start3A_187 = tpu.memref_squeeze %dma_start3A_186 : memref<1x!tpu.dma_semaphore, #tpu.memory_space<semaphore_mem>> -> memref<!tpu.dma_semaphore, #tpu.memory_space<semaphore_mem>>
    tpu.enqueue_indirect_dma source(%arg9 : memref<40x128xf32, #tpu.memory_space<vmem>>) target(%dma_start3A_185 : memref<10000x128xf32, #tpu.memory_space<vmem_shared>>) offsets(%arg16 : memref<40xi32, #tpu.memory_space<vmem>>) semaphore(%dma_start3A_187 : memref<!tpu.dma_semaphore, #tpu.memory_space<semaphore_mem>>) {add = true}
    %dma_wait3A_188 = arith.constant 3 : i32
    %dma_wait3A_189 = arith.constant 9920 : i32
    %dma_wait3A_190 = tpu.memref_slice %arg21[%dma_wait3A_189] : memref<10000xi32, #tpu.memory_space<vmem>> -> memref<40xi32, #tpu.memory_space<vmem>>
    %dma_wait3A_191 = arith.constant 0 : i32
    %dma_wait3A_192 = arith.constant 0 : i32
    %dma_wait3A_193 = tpu.memref_slice %arg2[%dma_wait3A_191, %dma_wait3A_192] : memref<10000x128xf32, #tpu.memory_space<hbm>> -> memref<10000x128xf32, #tpu.memory_space<hbm>>
    %dma_wait3A_194 = tpu.memref_slice %arg23[%dma_wait3A_188] : memref<7x!tpu.dma_semaphore, #tpu.memory_space<semaphore_mem>> -> memref<1x!tpu.dma_semaphore, #tpu.memory_space<semaphore_mem>>
    %dma_wait3A_195 = tpu.memref_squeeze %dma_wait3A_194 : memref<1x!tpu.dma_semaphore, #tpu.memory_space<semaphore_mem>> -> memref<!tpu.dma_semaphore, #tpu.memory_space<semaphore_mem>>
    tpu.wait_indirect_dma semaphore(%dma_wait3A_195 : memref<!tpu.dma_semaphore, #tpu.memory_space<semaphore_mem>>) src(%dma_wait3A_193 : memref<10000x128xf32, #tpu.memory_space<hbm>>) dst(%arg10 : memref<40x128xf32, #tpu.memory_space<vmem>>)
    %dma_wait3A_196 = arith.constant 3 : i32
    %dma_wait3A_197 = arith.constant 0 : i32
    %dma_wait3A_198 = tpu.memref_slice %arg4[%dma_wait3A_197] : memref<320000xi32, #tpu.memory_space<hbm>> -> memref<40xi32, #tpu.memory_space<hbm>>
    %dma_wait3A_199 = tpu.memref_slice %arg22[%dma_wait3A_196] : memref<7x!tpu.dma_semaphore, #tpu.memory_space<semaphore_mem>> -> memref<1x!tpu.dma_semaphore, #tpu.memory_space<semaphore_mem>>
    %dma_wait3A_200 = tpu.memref_squeeze %dma_wait3A_199 : memref<1x!tpu.dma_semaphore, #tpu.memory_space<semaphore_mem>> -> memref<!tpu.dma_semaphore, #tpu.memory_space<semaphore_mem>>
    %dma_wait3A_201 = arith.constant 0 : i32
    %dma_wait3A_202 = tpu.memref_slice %arg4[%dma_wait3A_201] : memref<320000xi32, #tpu.memory_space<hbm>> -> memref<40xi32, #tpu.memory_space<hbm>>
    tpu.wait_dma2 semaphore(%dma_wait3A_200 : memref<!tpu.dma_semaphore, #tpu.memory_space<semaphore_mem>>) src(%dma_wait3A_202 : memref<40xi32, #tpu.memory_space<hbm>>) dst(%arg17 : memref<40xi32, #tpu.memory_space<vmem>>)
    %dma_start3A_203 = arith.constant 3 : i32
    %dma_start3A_204 = arith.constant 0 : i32
    %dma_start3A_205 = arith.constant 0 : i32
    %dma_start3A_206 = tpu.memref_slice %arg6[%dma_start3A_204, %dma_start3A_205] : memref<10000x128xf32, #tpu.memory_space<vmem_shared>> -> memref<10000x128xf32, #tpu.memory_space<vmem_shared>>
    %dma_start3A_207 = tpu.memref_slice %arg24[%dma_start3A_203] : memref<7x!tpu.dma_semaphore, #tpu.memory_space<semaphore_mem>> -> memref<1x!tpu.dma_semaphore, #tpu.memory_space<semaphore_mem>>
    %dma_start3A_208 = tpu.memref_squeeze %dma_start3A_207 : memref<1x!tpu.dma_semaphore, #tpu.memory_space<semaphore_mem>> -> memref<!tpu.dma_semaphore, #tpu.memory_space<semaphore_mem>>
    tpu.enqueue_indirect_dma source(%arg10 : memref<40x128xf32, #tpu.memory_space<vmem>>) target(%dma_start3A_206 : memref<10000x128xf32, #tpu.memory_space<vmem_shared>>) offsets(%arg17 : memref<40xi32, #tpu.memory_space<vmem>>) semaphore(%dma_start3A_208 : memref<!tpu.dma_semaphore, #tpu.memory_space<semaphore_mem>>) {add = true}
    %dma_wait3A_209 = arith.constant 4 : i32
    %dma_wait3A_210 = arith.constant 9960 : i32
    %dma_wait3A_211 = tpu.memref_slice %arg21[%dma_wait3A_210] : memref<10000xi32, #tpu.memory_space<vmem>> -> memref<40xi32, #tpu.memory_space<vmem>>
    %dma_wait3A_212 = arith.constant 0 : i32
    %dma_wait3A_213 = arith.constant 0 : i32
    %dma_wait3A_214 = tpu.memref_slice %arg2[%dma_wait3A_212, %dma_wait3A_213] : memref<10000x128xf32, #tpu.memory_space<hbm>> -> memref<10000x128xf32, #tpu.memory_space<hbm>>
    %dma_wait3A_215 = tpu.memref_slice %arg23[%dma_wait3A_209] : memref<7x!tpu.dma_semaphore, #tpu.memory_space<semaphore_mem>> -> memref<1x!tpu.dma_semaphore, #tpu.memory_space<semaphore_mem>>
    %dma_wait3A_216 = tpu.memref_squeeze %dma_wait3A_215 : memref<1x!tpu.dma_semaphore, #tpu.memory_space<semaphore_mem>> -> memref<!tpu.dma_semaphore, #tpu.memory_space<semaphore_mem>>
    tpu.wait_indirect_dma semaphore(%dma_wait3A_216 : memref<!tpu.dma_semaphore, #tpu.memory_space<semaphore_mem>>) src(%dma_wait3A_214 : memref<10000x128xf32, #tpu.memory_space<hbm>>) dst(%arg11 : memref<40x128xf32, #tpu.memory_space<vmem>>)
    %dma_wait3A_217 = arith.constant 4 : i32
    %dma_wait3A_218 = arith.constant 0 : i32
    %dma_wait3A_219 = tpu.memref_slice %arg4[%dma_wait3A_218] : memref<320000xi32, #tpu.memory_space<hbm>> -> memref<40xi32, #tpu.memory_space<hbm>>
    %dma_wait3A_220 = tpu.memref_slice %arg22[%dma_wait3A_217] : memref<7x!tpu.dma_semaphore, #tpu.memory_space<semaphore_mem>> -> memref<1x!tpu.dma_semaphore, #tpu.memory_space<semaphore_mem>>
    %dma_wait3A_221 = tpu.memref_squeeze %dma_wait3A_220 : memref<1x!tpu.dma_semaphore, #tpu.memory_space<semaphore_mem>> -> memref<!tpu.dma_semaphore, #tpu.memory_space<semaphore_mem>>
    %dma_wait3A_222 = arith.constant 0 : i32
    %dma_wait3A_223 = tpu.memref_slice %arg4[%dma_wait3A_222] : memref<320000xi32, #tpu.memory_space<hbm>> -> memref<40xi32, #tpu.memory_space<hbm>>
    tpu.wait_dma2 semaphore(%dma_wait3A_221 : memref<!tpu.dma_semaphore, #tpu.memory_space<semaphore_mem>>) src(%dma_wait3A_223 : memref<40xi32, #tpu.memory_space<hbm>>) dst(%arg18 : memref<40xi32, #tpu.memory_space<vmem>>)
    %dma_start3A_224 = arith.constant 4 : i32
    %dma_start3A_225 = arith.constant 0 : i32
    %dma_start3A_226 = arith.constant 0 : i32
    %dma_start3A_227 = tpu.memref_slice %arg6[%dma_start3A_225, %dma_start3A_226] : memref<10000x128xf32, #tpu.memory_space<vmem_shared>> -> memref<10000x128xf32, #tpu.memory_space<vmem_shared>>
    %dma_start3A_228 = tpu.memref_slice %arg24[%dma_start3A_224] : memref<7x!tpu.dma_semaphore, #tpu.memory_space<semaphore_mem>> -> memref<1x!tpu.dma_semaphore, #tpu.memory_space<semaphore_mem>>
    %dma_start3A_229 = tpu.memref_squeeze %dma_start3A_228 : memref<1x!tpu.dma_semaphore, #tpu.memory_space<semaphore_mem>> -> memref<!tpu.dma_semaphore, #tpu.memory_space<semaphore_mem>>
    tpu.enqueue_indirect_dma source(%arg11 : memref<40x128xf32, #tpu.memory_space<vmem>>) target(%dma_start3A_227 : memref<10000x128xf32, #tpu.memory_space<vmem_shared>>) offsets(%arg18 : memref<40xi32, #tpu.memory_space<vmem>>) semaphore(%dma_start3A_229 : memref<!tpu.dma_semaphore, #tpu.memory_space<semaphore_mem>>) {add = true}
    %dma_wait3A_230 = arith.constant 0 : i32
    %dma_wait3A_231 = arith.constant 0 : i32
    %dma_wait3A_232 = arith.constant 0 : i32
    %dma_wait3A_233 = tpu.memref_slice %arg6[%dma_wait3A_231, %dma_wait3A_232] : memref<10000x128xf32, #tpu.memory_space<vmem_shared>> -> memref<10000x128xf32, #tpu.memory_space<vmem_shared>>
    %dma_wait3A_234 = tpu.memref_slice %arg24[%dma_wait3A_230] : memref<7x!tpu.dma_semaphore, #tpu.memory_space<semaphore_mem>> -> memref<1x!tpu.dma_semaphore, #tpu.memory_space<semaphore_mem>>
    %dma_wait3A_235 = tpu.memref_squeeze %dma_wait3A_234 : memref<1x!tpu.dma_semaphore, #tpu.memory_space<semaphore_mem>> -> memref<!tpu.dma_semaphore, #tpu.memory_space<semaphore_mem>>
    tpu.wait_indirect_dma semaphore(%dma_wait3A_235 : memref<!tpu.dma_semaphore, #tpu.memory_space<semaphore_mem>>) src(%arg7 : memref<40x128xf32, #tpu.memory_space<vmem>>) dst(%dma_wait3A_233 : memref<10000x128xf32, #tpu.memory_space<vmem_shared>>)
    %dma_wait3A_236 = arith.constant 1 : i32
    %dma_wait3A_237 = arith.constant 0 : i32
    %dma_wait3A_238 = arith.constant 0 : i32
    %dma_wait3A_239 = tpu.memref_slice %arg6[%dma_wait3A_237, %dma_wait3A_238] : memref<10000x128xf32, #tpu.memory_space<vmem_shared>> -> memref<10000x128xf32, #tpu.memory_space<vmem_shared>>
    %dma_wait3A_240 = tpu.memref_slice %arg24[%dma_wait3A_236] : memref<7x!tpu.dma_semaphore, #tpu.memory_space<semaphore_mem>> -> memref<1x!tpu.dma_semaphore, #tpu.memory_space<semaphore_mem>>
    %dma_wait3A_241 = tpu.memref_squeeze %dma_wait3A_240 : memref<1x!tpu.dma_semaphore, #tpu.memory_space<semaphore_mem>> -> memref<!tpu.dma_semaphore, #tpu.memory_space<semaphore_mem>>
    tpu.wait_indirect_dma semaphore(%dma_wait3A_241 : memref<!tpu.dma_semaphore, #tpu.memory_space<semaphore_mem>>) src(%arg8 : memref<40x128xf32, #tpu.memory_space<vmem>>) dst(%dma_wait3A_239 : memref<10000x128xf32, #tpu.memory_space<vmem_shared>>)
    %dma_wait3A_242 = arith.constant 2 : i32
    %dma_wait3A_243 = arith.constant 0 : i32
    %dma_wait3A_244 = arith.constant 0 : i32
    %dma_wait3A_245 = tpu.memref_slice %arg6[%dma_wait3A_243, %dma_wait3A_244] : memref<10000x128xf32, #tpu.memory_space<vmem_shared>> -> memref<10000x128xf32, #tpu.memory_space<vmem_shared>>
    %dma_wait3A_246 = tpu.memref_slice %arg24[%dma_wait3A_242] : memref<7x!tpu.dma_semaphore, #tpu.memory_space<semaphore_mem>> -> memref<1x!tpu.dma_semaphore, #tpu.memory_space<semaphore_mem>>
    %dma_wait3A_247 = tpu.memref_squeeze %dma_wait3A_246 : memref<1x!tpu.dma_semaphore, #tpu.memory_space<semaphore_mem>> -> memref<!tpu.dma_semaphore, #tpu.memory_space<semaphore_mem>>
    tpu.wait_indirect_dma semaphore(%dma_wait3A_247 : memref<!tpu.dma_semaphore, #tpu.memory_space<semaphore_mem>>) src(%arg9 : memref<40x128xf32, #tpu.memory_space<vmem>>) dst(%dma_wait3A_245 : memref<10000x128xf32, #tpu.memory_space<vmem_shared>>)
    %dma_wait3A_248 = arith.constant 3 : i32
    %dma_wait3A_249 = arith.constant 0 : i32
    %dma_wait3A_250 = arith.constant 0 : i32
    %dma_wait3A_251 = tpu.memref_slice %arg6[%dma_wait3A_249, %dma_wait3A_250] : memref<10000x128xf32, #tpu.memory_space<vmem_shared>> -> memref<10000x128xf32, #tpu.memory_space<vmem_shared>>
    %dma_wait3A_252 = tpu.memref_slice %arg24[%dma_wait3A_248] : memref<7x!tpu.dma_semaphore, #tpu.memory_space<semaphore_mem>> -> memref<1x!tpu.dma_semaphore, #tpu.memory_space<semaphore_mem>>
    %dma_wait3A_253 = tpu.memref_squeeze %dma_wait3A_252 : memref<1x!tpu.dma_semaphore, #tpu.memory_space<semaphore_mem>> -> memref<!tpu.dma_semaphore, #tpu.memory_space<semaphore_mem>>
    tpu.wait_indirect_dma semaphore(%dma_wait3A_253 : memref<!tpu.dma_semaphore, #tpu.memory_space<semaphore_mem>>) src(%arg10 : memref<40x128xf32, #tpu.memory_space<vmem>>) dst(%dma_wait3A_251 : memref<10000x128xf32, #tpu.memory_space<vmem_shared>>)
    %dma_wait3A_254 = arith.constant 4 : i32
    %dma_wait3A_255 = arith.constant 0 : i32
    %dma_wait3A_256 = arith.constant 0 : i32
    %dma_wait3A_257 = tpu.memref_slice %arg6[%dma_wait3A_255, %dma_wait3A_256] : memref<10000x128xf32, #tpu.memory_space<vmem_shared>> -> memref<10000x128xf32, #tpu.memory_space<vmem_shared>>
    %dma_wait3A_258 = tpu.memref_slice %arg24[%dma_wait3A_254] : memref<7x!tpu.dma_semaphore, #tpu.memory_space<semaphore_mem>> -> memref<1x!tpu.dma_semaphore, #tpu.memory_space<semaphore_mem>>
    %dma_wait3A_259 = tpu.memref_squeeze %dma_wait3A_258 : memref<1x!tpu.dma_semaphore, #tpu.memory_space<semaphore_mem>> -> memref<!tpu.dma_semaphore, #tpu.memory_space<semaphore_mem>>
    tpu.wait_indirect_dma semaphore(%dma_wait3A_259 : memref<!tpu.dma_semaphore, #tpu.memory_space<semaphore_mem>>) src(%arg11 : memref<40x128xf32, #tpu.memory_space<vmem>>) dst(%dma_wait3A_257 : memref<10000x128xf32, #tpu.memory_space<vmem_shared>>)
    %dma_wait3A_260 = arith.constant 5 : i32
    %dma_wait3A_261 = arith.constant 0 : i32
    %dma_wait3A_262 = arith.constant 0 : i32
    %dma_wait3A_263 = tpu.memref_slice %arg6[%dma_wait3A_261, %dma_wait3A_262] : memref<10000x128xf32, #tpu.memory_space<vmem_shared>> -> memref<10000x128xf32, #tpu.memory_space<vmem_shared>>
    %dma_wait3A_264 = tpu.memref_slice %arg24[%dma_wait3A_260] : memref<7x!tpu.dma_semaphore, #tpu.memory_space<semaphore_mem>> -> memref<1x!tpu.dma_semaphore, #tpu.memory_space<semaphore_mem>>
    %dma_wait3A_265 = tpu.memref_squeeze %dma_wait3A_264 : memref<1x!tpu.dma_semaphore, #tpu.memory_space<semaphore_mem>> -> memref<!tpu.dma_semaphore, #tpu.memory_space<semaphore_mem>>
    tpu.wait_indirect_dma semaphore(%dma_wait3A_265 : memref<!tpu.dma_semaphore, #tpu.memory_space<semaphore_mem>>) src(%arg12 : memref<40x128xf32, #tpu.memory_space<vmem>>) dst(%dma_wait3A_263 : memref<10000x128xf32, #tpu.memory_space<vmem_shared>>)
    %dma_wait3A_266 = arith.constant 6 : i32
    %dma_wait3A_267 = arith.constant 0 : i32
    %dma_wait3A_268 = arith.constant 0 : i32
    %dma_wait3A_269 = tpu.memref_slice %arg6[%dma_wait3A_267, %dma_wait3A_268] : memref<10000x128xf32, #tpu.memory_space<vmem_shared>> -> memref<10000x128xf32, #tpu.memory_space<vmem_shared>>
    %dma_wait3A_270 = tpu.memref_slice %arg24[%dma_wait3A_266] : memref<7x!tpu.dma_semaphore, #tpu.memory_space<semaphore_mem>> -> memref<1x!tpu.dma_semaphore, #tpu.memory_space<semaphore_mem>>
    %dma_wait3A_271 = tpu.memref_squeeze %dma_wait3A_270 : memref<1x!tpu.dma_semaphore, #tpu.memory_space<semaphore_mem>> -> memref<!tpu.dma_semaphore, #tpu.memory_space<semaphore_mem>>
    tpu.wait_indirect_dma semaphore(%dma_wait3A_271 : memref<!tpu.dma_semaphore, #tpu.memory_space<semaphore_mem>>) src(%arg13 : memref<40x128xf32, #tpu.memory_space<vmem>>) dst(%dma_wait3A_269 : memref<10000x128xf32, #tpu.memory_space<vmem_shared>>)
    %barrier3A_272 = arith.constant 0 : index
    tpu.barrier barrier_id(%barrier3A_272)
    %scan3A_273 = arith.constant 0 : i32
    %scan3A_274 = arith.constant 16 : i32
    %scan3A_275 = arith.addi %scan3A_273, %scan3A_274 : i32
    %scan3A_276 = arith.constant 1 : i32
    scf.for %scan3A_283 = %scan3A_273 to %scan3A_275 step %scan3A_276  : i32 {
      %mul3A_284 = arith.constant 16 : i32
      %mul3A_285 = arith.muli %scan3A_283, %mul3A_284 : i32
      %add3A_286 = arith.addi %arg1, %mul3A_285 : i32
      %lt3A = arith.constant 250 : i32
      %lt3A_287 = arith.cmpi slt, %add3A_286, %lt3A : i32
      %convert_element_type3A = arith.extui %lt3A_287 : i1 to i32
      %cond3A = arith.constant 0 : i32
      %cond3A_288 = arith.cmpi ne, %convert_element_type3A, %cond3A : i32
      scf.if %cond3A_288 {
        %mul3A_289 = arith.constant 40 : i32
        %mul3A_290 = arith.muli %add3A_286, %mul3A_289 : i32
        %dma_start3A_291 = arith.constant 0 : i32
        %dma_start3A_292 = tpu.memref_slice %arg23[%dma_start3A_291] : memref<7x!tpu.dma_semaphore, #tpu.memory_space<semaphore_mem>> -> memref<1x!tpu.dma_semaphore, #tpu.memory_space<semaphore_mem>>
        %dma_start3A_293 = tpu.memref_squeeze %dma_start3A_292 : memref<1x!tpu.dma_semaphore, #tpu.memory_space<semaphore_mem>> -> memref<!tpu.dma_semaphore, #tpu.memory_space<semaphore_mem>>
        %dma_start3A_294 = arith.constant 0 : i32
        %dma_start3A_295 = tpu.memref_slice %arg5[%arg0, %mul3A_290, %dma_start3A_294] : memref<2x10000x128xf32, #tpu.memory_space<hbm>> -> memref<1x40x128xf32, #tpu.memory_space<hbm>>
        %dma_start3A_296 = tpu.memref_squeeze %dma_start3A_295 : memref<1x40x128xf32, #tpu.memory_space<hbm>> -> memref<40x128xf32, #tpu.memory_space<hbm>>
        %dma_start3A_297 = arith.constant 0 : i32
        %dma_start3A_298 = tpu.memref_slice %arg6[%mul3A_290, %dma_start3A_297] : memref<10000x128xf32, #tpu.memory_space<vmem_shared>> -> memref<40x128xf32, #tpu.memory_space<vmem_shared>>
        tpu.enqueue_dma source(%dma_start3A_298 : memref<40x128xf32, #tpu.memory_space<vmem_shared>>) target(%dma_start3A_296 : memref<40x128xf32, #tpu.memory_space<hbm>>) target_semaphore(%dma_start3A_293 : memref<!tpu.dma_semaphore, #tpu.memory_space<semaphore_mem>>)
      } else {
      }
    }
    %scan3A_277 = arith.constant 16 : i32
    %scan3A_278 = arith.constant 0 : i32
    %scan3A_279 = arith.constant 16 : i32
    %scan3A_280 = arith.addi %scan3A_278, %scan3A_279 : i32
    %scan3A_281 = arith.constant 1 : i32
    scf.for %scan3A_283 = %scan3A_278 to %scan3A_280 step %scan3A_281  : i32 {
      %mul3A_284 = arith.constant 16 : i32
      %mul3A_285 = arith.muli %scan3A_283, %mul3A_284 : i32
      %add3A_286 = arith.addi %arg1, %mul3A_285 : i32
      %lt3A = arith.constant 250 : i32
      %lt3A_287 = arith.cmpi slt, %add3A_286, %lt3A : i32
      %convert_element_type3A = arith.extui %lt3A_287 : i1 to i32
      %cond3A = arith.constant 0 : i32
      %cond3A_288 = arith.cmpi ne, %convert_element_type3A, %cond3A : i32
      scf.if %cond3A_288 {
        %mul3A_289 = arith.constant 40 : i32
        %mul3A_290 = arith.muli %add3A_286, %mul3A_289 : i32
        %dma_wait3A_291 = arith.constant 0 : i32
        %dma_wait3A_292 = tpu.memref_slice %arg23[%dma_wait3A_291] : memref<7x!tpu.dma_semaphore, #tpu.memory_space<semaphore_mem>> -> memref<1x!tpu.dma_semaphore, #tpu.memory_space<semaphore_mem>>
        %dma_wait3A_293 = tpu.memref_squeeze %dma_wait3A_292 : memref<1x!tpu.dma_semaphore, #tpu.memory_space<semaphore_mem>> -> memref<!tpu.dma_semaphore, #tpu.memory_space<semaphore_mem>>
        %dma_wait3A_294 = arith.constant 0 : i32
        %dma_wait3A_295 = tpu.memref_slice %arg5[%arg0, %mul3A_290, %dma_wait3A_294] : memref<2x10000x128xf32, #tpu.memory_space<hbm>> -> memref<1x40x128xf32, #tpu.memory_space<hbm>>
        %dma_wait3A_296 = tpu.memref_squeeze %dma_wait3A_295 : memref<1x40x128xf32, #tpu.memory_space<hbm>> -> memref<40x128xf32, #tpu.memory_space<hbm>>
        %dma_wait3A_297 = arith.constant 0 : i32
        %dma_wait3A_298 = tpu.memref_slice %arg6[%mul3A_290, %dma_wait3A_297] : memref<10000x128xf32, #tpu.memory_space<vmem_shared>> -> memref<40x128xf32, #tpu.memory_space<vmem_shared>>
        tpu.wait_dma2 semaphore(%dma_wait3A_293 : memref<!tpu.dma_semaphore, #tpu.memory_space<semaphore_mem>>) src(%dma_wait3A_298 : memref<40x128xf32, #tpu.memory_space<vmem_shared>>) dst(%dma_wait3A_296 : memref<40x128xf32, #tpu.memory_space<hbm>>)
      } else {
      }
    }
    %scan3A_282 = arith.constant 16 : i32
    return
  }
}

module attributes {stable_mosaic.version = 14 : i64} {
  func.func @_mask_body(%arg0: i32, %arg1: memref<2000x128xf32, #tpu.memory_space<vmem>>, %arg2: memref<2000x1xf32, #tpu.memory_space<vmem>>, %arg3: memref<2x65536xi32, #tpu.memory_space<vmem>>, %arg4: memref<2000x128xf32, #tpu.memory_space<vmem>>, %arg5: memref<65536xi32, #tpu.memory_space<vmem>>, %arg6: memref<65536xi32, #tpu.memory_space<vmem>>) attributes {dimension_semantics = [#tpu.dimension_semantics<arbitrary>], iteration_bounds = array<i64: 5>, scalar_prefetch = 0 : i64, scratch_operands = 0 : i64, tpu.core_type = #tpu.core_type<tc>, window_params = [{transform_indices = @transform_0, window_bounds = array<i64: 2000, 128>}, {transform_indices = @transform_1, window_bounds = array<i64: 2000, 1>}, {transform_indices = @transform_2, window_bounds = array<i64: 2, 65536>}, {transform_indices = @transform_3, window_bounds = array<i64: 2000, 128>}, {transform_indices = @transform_4, window_bounds = array<i64: 65536>}, {transform_indices = @transform_5, window_bounds = array<i64: 65536>}]} {
    %get3A = arith.constant 0 : index
    %get3A_0 = arith.constant 0 : index
    %get3A_1 = vector.load %arg1[%get3A, %get3A_0] : memref<2000x128xf32, #tpu.memory_space<vmem>>, vector<2000x128xf32>
    %get3A_2 = arith.constant 0 : index
    %get3A_3 = arith.constant 0 : index
    %get3A_4 = vector.load %arg2[%get3A_2, %get3A_3] : memref<2000x1xf32, #tpu.memory_space<vmem>>, vector<2000x1xf32>
    %mul3A = vector.broadcast %get3A_4 : vector<2000x1xf32> to vector<2000x128xf32>
    %mul3A_5 = arith.mulf %get3A_1, %mul3A : vector<2000x128xf32>
    %swap3A = arith.constant 0 : index
    %swap3A_6 = arith.constant 0 : index
    %swap3A_7 = vector.load %arg4[%swap3A, %swap3A_6] : memref<2000x128xf32, #tpu.memory_space<vmem>>, vector<2000x128xf32>
    tpu.vector_store %arg4[%swap3A, %swap3A_6], %mul3A_5 {strides = array<i32>} : memref<2000x128xf32, #tpu.memory_space<vmem>>, vector<2000x128xf32>,
    %get3A_8 = arith.constant 0 : index
    %get3A_9 = arith.constant 0 : index
    %get3A_10 = vector.load %arg3[%get3A_8, %get3A_9] : memref<2x65536xi32, #tpu.memory_space<vmem>>, vector<1x65536xi32>
    %get3A_11 = vector.shape_cast %get3A_10 : vector<1x65536xi32> to vector<65536xi32>
    %swap3A_12 = arith.constant 0 : index
    %swap3A_13 = vector.load %arg5[%swap3A_12] : memref<65536xi32, #tpu.memory_space<vmem>>, vector<65536xi32>
    tpu.vector_store %arg5[%swap3A_12], %get3A_11 {strides = array<i32>} : memref<65536xi32, #tpu.memory_space<vmem>>, vector<65536xi32>,
    %get3A_14 = arith.constant 1 : index
    %get3A_15 = arith.constant 0 : index
    %get3A_16 = vector.load %arg3[%get3A_14, %get3A_15] : memref<2x65536xi32, #tpu.memory_space<vmem>>, vector<1x65536xi32>
    %get3A_17 = vector.shape_cast %get3A_16 : vector<1x65536xi32> to vector<65536xi32>
    %swap3A_18 = arith.constant 0 : index
    %swap3A_19 = vector.load %arg6[%swap3A_18] : memref<65536xi32, #tpu.memory_space<vmem>>, vector<65536xi32>
    tpu.vector_store %arg6[%swap3A_18], %get3A_17 {strides = array<i32>} : memref<65536xi32, #tpu.memory_space<vmem>>, vector<65536xi32>,
    return
  }
  func.func @transform_0(%arg0: i32) -> (i32, i32) {
    %c0_i32 = arith.constant 0 : i32
    %c0_i32_0 = arith.constant 0 : i32
    return %arg0, %c0_i32 : i32, i32
  }
  func.func @transform_1(%arg0: i32) -> (i32, i32) {
    %c0_i32 = arith.constant 0 : i32
    %c0_i32_0 = arith.constant 0 : i32
    return %arg0, %c0_i32 : i32, i32
  }
  func.func @transform_2(%arg0: i32) -> (i32, i32) {
    %c0_i32 = arith.constant 0 : i32
    %c0_i32_0 = arith.constant 0 : i32
    return %c0_i32, %arg0 : i32, i32
  }
  func.func @transform_3(%arg0: i32) -> (i32, i32) {
    %c0_i32 = arith.constant 0 : i32
    %c0_i32_0 = arith.constant 0 : i32
    return %arg0, %c0_i32 : i32, i32
  }
  func.func @transform_4(%arg0: i32) -> i32 {
    %c0_i32 = arith.constant 0 : i32
    return %arg0 : i32
  }
  func.func @transform_5(%arg0: i32) -> i32 {
    %c0_i32 = arith.constant 0 : i32
    return %arg0 : i32
  }
}

module attributes {stable_mosaic.version = 14 : i64} {
  func.func @_finish_body(%arg0: i32, %arg1: memref<2000x128xf32, #tpu.memory_space<vmem>>, %arg2: memref<2000x1xf32, #tpu.memory_space<vmem>>, %arg3: memref<1x2000x128xf32, #tpu.memory_space<vmem>>, %arg4: memref<1x2000x128xf32, #tpu.memory_space<vmem>>, %arg5: memref<128x128xf32, #tpu.memory_space<vmem>>, %arg6: memref<2000x128xf32, #tpu.memory_space<vmem>>) attributes {dimension_semantics = [#tpu.dimension_semantics<arbitrary>], iteration_bounds = array<i64: 5>, scalar_prefetch = 0 : i64, scratch_operands = 0 : i64, tpu.core_type = #tpu.core_type<tc>, window_params = [{transform_indices = @transform_0, window_bounds = array<i64: 2000, 128>}, {transform_indices = @transform_1, window_bounds = array<i64: 2000, 1>}, {transform_indices = @transform_2, window_bounds = array<i64: 1, 2000, 128>}, {transform_indices = @transform_3, window_bounds = array<i64: 1, 2000, 128>}, {pipeline_mode = #tpu.pipeline_mode<synchronous>, transform_indices = @transform_4, window_bounds = array<i64: 128, 128>}, {transform_indices = @transform_5, window_bounds = array<i64: 2000, 128>}]} {
    %get3A = arith.constant 0 : index
    %get3A_0 = arith.constant 0 : index
    %get3A_1 = arith.constant 0 : index
    %get3A_2 = vector.load %arg3[%get3A, %get3A_0, %get3A_1] : memref<1x2000x128xf32, #tpu.memory_space<vmem>>, vector<1x2000x128xf32>
    %get3A_3 = vector.shape_cast %get3A_2 : vector<1x2000x128xf32> to vector<2000x128xf32>
    %get3A_4 = arith.constant 0 : index
    %get3A_5 = arith.constant 0 : index
    %get3A_6 = arith.constant 0 : index
    %get3A_7 = vector.load %arg4[%get3A_4, %get3A_5, %get3A_6] : memref<1x2000x128xf32, #tpu.memory_space<vmem>>, vector<1x2000x128xf32>
    %get3A_8 = vector.shape_cast %get3A_7 : vector<1x2000x128xf32> to vector<2000x128xf32>
    %add3A = arith.addf %get3A_3, %get3A_8 : vector<2000x128xf32>
    %get3A_9 = arith.constant 0 : index
    %get3A_10 = arith.constant 0 : index
    %get3A_11 = vector.load %arg5[%get3A_9, %get3A_10] : memref<128x128xf32, #tpu.memory_space<vmem>>, vector<128x128xf32>
    %dot_general3A = arith.constant dense<0.000000e+00> : vector<2000x128xf32>
    %dot_general3A_12 = tpu.matmul %add3A, %get3A_11, %dot_general3A {dimension_numbers = #tpu.dot_dimension_numbers<[1], [1], [0], [0], [0, 0, 1, 0], [], []>, transpose_lhs_hint = false} : vector<2000x128xf32>, vector<128x128xf32>, vector<2000x128xf32> -> vector<2000x128xf32>
    %get3A_13 = arith.constant 0 : index
    %get3A_14 = arith.constant 0 : index
    %get3A_15 = vector.load %arg1[%get3A_13, %get3A_14] : memref<2000x128xf32, #tpu.memory_space<vmem>>, vector<2000x128xf32>
    %get3A_16 = arith.constant 0 : index
    %get3A_17 = arith.constant 0 : index
    %get3A_18 = vector.load %arg2[%get3A_16, %get3A_17] : memref<2000x1xf32, #tpu.memory_space<vmem>>, vector<2000x1xf32>
    %mul3A = vector.broadcast %get3A_18 : vector<2000x1xf32> to vector<2000x128xf32>
    %mul3A_19 = arith.mulf %mul3A, %dot_general3A_12 : vector<2000x128xf32>
    %add3A_20 = arith.addf %get3A_15, %mul3A_19 : vector<2000x128xf32>
    %swap3A = arith.constant 0 : index
    %swap3A_21 = arith.constant 0 : index
    %swap3A_22 = vector.load %arg6[%swap3A, %swap3A_21] : memref<2000x128xf32, #tpu.memory_space<vmem>>, vector<2000x128xf32>
    tpu.vector_store %arg6[%swap3A, %swap3A_21], %add3A_20 {strides = array<i32>} : memref<2000x128xf32, #tpu.memory_space<vmem>>, vector<2000x128xf32>,
    return
  }
  func.func @transform_0(%arg0: i32) -> (i32, i32) {
    %c0_i32 = arith.constant 0 : i32
    %c0_i32_0 = arith.constant 0 : i32
    return %arg0, %c0_i32 : i32, i32
  }
  func.func @transform_1(%arg0: i32) -> (i32, i32) {
    %c0_i32 = arith.constant 0 : i32
    %c0_i32_0 = arith.constant 0 : i32
    return %arg0, %c0_i32 : i32, i32
  }
  func.func @transform_2(%arg0: i32) -> (i32, i32, i32) {
    %c0_i32 = arith.constant 0 : i32
    %c0_i32_0 = arith.constant 0 : i32
    %c0_i32_1 = arith.constant 0 : i32
    return %c0_i32, %arg0, %c0_i32_0 : i32, i32, i32
  }
  func.func @transform_3(%arg0: i32) -> (i32, i32, i32) {
    %c1_i32 = arith.constant 1 : i32
    %c0_i32 = arith.constant 0 : i32
    %c0_i32_0 = arith.constant 0 : i32
    return %c1_i32, %arg0, %c0_i32 : i32, i32, i32
  }
  func.func @transform_4(%arg0: i32) -> (i32, i32) {
    %c0_i32 = arith.constant 0 : i32
    %c0_i32_0 = arith.constant 0 : i32
    %c0_i32_1 = arith.constant 0 : i32
    return %c0_i32, %c0_i32_0 : i32, i32
  }
  func.func @transform_5(%arg0: i32) -> (i32, i32) {
    %c0_i32 = arith.constant 0 : i32
    %c0_i32_0 = arith.constant 0 : i32
    return %arg0, %c0_i32 : i32, i32
  }
}

</mosaic_0001>

<sc_bundles>
// kernel: kernel.5.cloned.1.call-start
scs
__scs_entry_jumppad:
0x0: {  	(pc) =	sbr.rel $0x88, $3  }
0x1: {  	(tag) =	ssettag $0x0;
	lr =	simm.s32 $0x1  }
0x2: {  	[smem:$0x3F9D] =	sst lr;
	_ =	strace $0xD0000000  }
0x3: {  	_ = 	snop  }
0x4: {  	_ = 	snop  }
0x5: {  	_ = 	snop  }
0x6: {  	_ = 	snop  }
0x7: {  	_ = 	snop  }
__scs_overlays_trampoline_lowered:
0x8: {  	[smem:$0x3FAC] =	sst s0  }
0x9: {  	[smem:$0x3FAD] =	sst s1  }
0xa: {  	[smem:$0x3FAE] =	sst s2  }
0xb: {  	[smem:$0x3FAF] =	sst s3  }
0xc: {  	[smem:$0x3FB0] =	sst s4  }
0xd: {  	[smem:$0x3FB1] =	sst s5  }
0xe: {  	[smem:$0x3FB2] =	sst s6  }
0xf: {  	[smem:$0x3FB3] =	sst s7  }
0x10: {  	[smem:$0x3FB4] =	sst s8  }
0x11: {  	[smem:$0x3FB5] =	sst s9;
	s0 =	simm.s32 @!p0 $0x0  }
0x12: {  	s1 =	sld [smem:$0x3F9B];
	s0 =	simm.s32 @p0 $0x1  }
0x13: {  	[smem:$0x3FB6] =	sst s0;
	s0 =	simm.s32 @!p1 $0x0  }
0x14: {  	s2 =	sld [smem:$0x3F9A];
	s0 =	simm.s32 @p1 $0x1  }
0x15: {  	[smem:$0x3FB7] =	sst s0;
	s0 =	simm.s32 @!p2 $0x0  }
0x16: {  	s3 =	sld [smem:$0x3FDB];
	s0 =	simm.s32 @p2 $0x1  }
0x17: {  	s4 =	simm.s32 $0x1BF5;
	[smem:$0x3FB9] =	sst s0  }
0x18: {  	s0 =	sld [smem:$0x3F9C];
	_ =	swait.ge [sflag:s4], $0x0  }
0x19: {  	s7 =	sld [smem:$0x3F9D]  }
0x1a: {  	s8 =	sadd.s32 $0xFFFFE003, lr  }
0x1b: {  	s9 =	sadd.s32 $0xFFFFFEF7, lr;
	s5 =	simm.s32 $0xFFFFFFFF;
	p2 =	slt.u32 s8, $0xFFFFF086  }
0x1c: {  	p1 =	slt.u32 s9, $0xF7A;
	s5 =	simm.s32 @!p2 $0x0  }
0x1d: {  	s5 =	simm.s32 @p1 $0x1;
	p0 =	seq.s32 s7, s2  }
0x1e: {  	s7 =	smul.u32 @!p0 $0xF7A, s2;
	p2 =	seq.s32 @!p0 s5, $0x0  }
0x1f: {  	s9 =	smul.u32 $0xF7A, s1;
	s8 =	simm.s32 @!p0 $0x1BF5;
	p2 =	por !p2, p0  }
0x20: {  	[sflag:s8] =	ssyncset.s32 @!p0 $0xFFFFF086;
	s6 =	sadd.s32 @!p0 s3, s7;
	s7 =	simm.s32 @!p0 $0x108  }
0x21: {  	s3 =	sadd.s32 s3, s9;
	s6 =	sadd.s32 @!p0 $0x88, s6;
	s7 =	simm.s32 @p2 $0x1082  }
0x22: {  	[simem:s7], [sflag:s8] =	dma.local @!p0 [hbm:s6], $0xF7A  }
0x23: {  	s9 =	sor.u32 $0xD0000000, s2;
	s6 =	simm.s32 $0x108;
	_ =	swait.ge @!p0 [sflag:s8], $0x0  }
0x24: {  	s3 =	sadd.s32 $0x88, s3;
	s6 =	simm.s32 @!p1 $0x1082;
	[sflag:s4] =	ssyncset.s32 $0xFFFFF086  }
0x25: {  	[simem:s6], [sflag:s4] =	dma.local [hbm:s3], $0xF7A  }
0x26: {  	[smem:$0x3F9D] =	sst s1;
	(tag) =	ssettag s2;
	_ =	strace s9  }
0x27: {  	s1 =	sld [smem:$0x3FAD]  }
0x28: {  	s2 =	sld [smem:$0x3FAE]  }
0x29: {  	s4 =	sld [smem:$0x3FB0]  }
0x2a: {  	p0 =	seq.s32 s5, $0x0;
	s5 =	sld [smem:$0x3FB1]  }
0x2b: {  	s6 =	sld [smem:$0x3FB2]  }
0x2c: {  	s7 =	sld [smem:$0x3FB3]  }
0x2d: {  	s3 =	simm.s32 $0x108;
	s8 =	sld [smem:$0x3FB4]  }
0x2e: {  	s3 =	simm.s32 @!p0 $0x1082;
	s9 =	sld [smem:$0x3FB5]  }
0x2f: {  	lr =	sadd.s32 s0, s3;
	s0 =	sld [smem:$0x3FAC]  }
0x30: {  	s3 =	sld [smem:$0x3FAF]  }
0x31: {  	[smem:$0x3FB8] =	sst s10  }
0x32: {  	s10 =	sld [smem:$0x3FB6];
	_ =	sdelay $0x3  }
0x33: {  	p0 =	seq.s32 s10, $0x1;
	s10 =	sld [smem:$0x3FB8];
	_ =	sdelay $0x3  }
0x34: {  	[smem:$0x3FB8] =	sst s10  }
0x35: {  	s10 =	sld [smem:$0x3FB7];
	_ =	sdelay $0x3  }
0x36: {  	p1 =	seq.s32 s10, $0x1;
	s10 =	sld [smem:$0x3FB8];
	_ =	sdelay $0x3  }
0x37: {  	[smem:$0x3FB8] =	sst s10  }
0x38: {  	s10 =	sld [smem:$0x3FB9]  }
0x39: {  	_ = 	snop;
	(pc) =	sbr.ind lr, $3  }
0x3a: {  	_ = 	snop  }
0x3b: {  	_ = 	snop  }
0x3c: {  	p2 =	seq.s32 s10, $0x1;
	s10 =	sld [smem:$0x3FB8]  }
0x3d: {  	_ =	shalt  }
0x3e: {  	_ =	shalt  }
0x3f: {  	_ =	shalt  }
0x40: {  	_ =	shalt  }
0x41: {  	_ =	shalt  }
0x42: {  	_ =	shalt  }
0x43: {  	_ =	shalt  }
0x44: {  	_ =	shalt  }
0x45: {  	_ =	shalt  }
0x46: {  	_ =	shalt  }
0x47: {  	_ =	shalt  }
0x48: {  	_ =	shalt  }
0x49: {  	_ =	shalt  }
0x4a: {  	_ =	shalt  }
0x4b: {  	_ =	shalt  }
0x4c: {  	_ =	shalt  }
0x4d: {  	_ =	shalt  }
0x4e: {  	_ =	shalt  }
0x4f: {  	_ =	shalt  }
0x50: {  	_ =	shalt  }
0x51: {  	_ =	shalt  }
0x52: {  	_ =	shalt  }
0x53: {  	_ =	shalt  }
0x54: {  	_ =	shalt  }
0x55: {  	_ =	shalt  }
0x56: {  	_ =	shalt  }
0x57: {  	_ =	shalt  }
0x58: {  	_ =	shalt  }
0x59: {  	_ =	shalt  }
0x5a: {  	_ =	shalt  }
0x5b: {  	_ =	shalt  }
0x5c: {  	_ =	shalt  }
0x5d: {  	_ =	shalt  }
0x5e: {  	_ =	shalt  }
0x5f: {  	_ =	shalt  }
0x60: {  	_ =	shalt  }
0x61: {  	_ =	shalt  }
0x62: {  	_ =	shalt  }
0x63: {  	_ =	shalt  }
0x64: {  	_ =	shalt  }
0x65: {  	_ =	shalt  }
0x66: {  	_ =	shalt  }
0x67: {  	_ =	shalt  }
0x68: {  	_ =	shalt  }
0x69: {  	_ =	shalt  }
0x6a: {  	_ =	shalt  }
0x6b: {  	_ =	shalt  }
0x6c: {  	_ =	shalt  }
0x6d: {  	_ =	shalt  }
0x6e: {  	_ =	shalt  }
0x6f: {  	_ =	shalt  }
0x70: {  	_ =	shalt  }
0x71: {  	_ =	shalt  }
0x72: {  	_ =	shalt  }
0x73: {  	_ =	shalt  }
0x74: {  	_ =	shalt  }
0x75: {  	_ =	shalt  }
0x76: {  	_ =	shalt  }
0x77: {  	_ =	shalt  }
0x78: {  	_ =	shalt  }
0x79: {  	_ =	shalt  }
0x7a: {  	_ =	shalt  }
0x7b: {  	_ =	shalt  }
0x7c: {  	_ =	shalt  }
0x7d: {  	_ =	shalt  }
0x7e: {  	_ =	shalt  }
0x7f: {  	_ =	shalt  }
0x80: {  	_ =	shalt  }
0x81: {  	_ =	shalt  }
0x82: {  	_ =	shalt  }
0x83: {  	_ =	shalt  }
0x84: {  	_ =	shalt  }
0x85: {  	_ =	shalt  }
0x86: {  	_ =	shalt  }
0x87: {  	_ =	shalt  }
.Lfunc_end0:
.L_simem_size_0:
called_computation_lowered:
.L_overlay_start_0:
0x88: {  	s2 =	sld [smem:$0x3FD9]  }
0x89: {  	s3 =	sld [smem:$0x3FFE];
	_ =	sdelay $0x1  }
0x8a: {  	s1 =	srdreg.scid  }
0x8b: {  	s0 =	sand.u32 $0x1, s1  }
0x8c: {  	s17 =	sshll.u32 s0, $0xA;
	s2 =	sadd.s32 s3, s2  }
0x8d: {  	s2 =	sadd.s32 s2, s17  }
0x8e: {  	[smem:$0x3FC4] =	sst s2  }
0x8f: {  	_ = 	snop  }
0x90: {  	s2 =	sld [smem:$0x3FD0];
	(tm) =	ssettm $0x1  }
0x91: {  	s18 =	sld [smem:$0x3FFB];
	_ =	sdelay $0x3  }
0x92: {  	_ =	strace s18  }
0x93: {  	s3 =	sld [smem:$0x3FFC];
	_ =	sdelay $0x3  }
0x94: {  	_ =	strace s3  }
0x95: {  	s3 =	sld [smem:$0x3FFD];
	_ =	sdelay $0x3  }
0x96: {  	_ =	strace s3  }
0x97: {  	_ =	strace $0x8FFFFFFF  }
0x98: {  	s19 =	sld [smem:$0x3FDB];
	_ =	sdelay $0x1  }
0x99: {  	s4 =	simm.s32 $_scs_section_size  }
0x9a: {  	s5 =	simm.s32 $_size__tile_overlayer_lowered;
	s6 =	simm.s32 $_tile_overlayer_lowered  }
0x9b: {  	s22 =	simm.s32 $0x1BFF;
	s21 =	sshll.u32 s6, $0x1;
	s3 =	sadd.s32 s4, s19  }
0x9c: {  	s7 =	simm.s32 $0x0;
	s20 =	sshll.u32 s5, $0x1;
	s5 =	sadd.s32 s21, s3  }
0x9d: {  	[timem:s7], [sflag:s22] =	dma.local [hbm:s5], s20  }
0x9e: {  	_ =	swait.ge [sflag:s22], s20  }
0x9f: {  	s4 =	ssub.s32 $0x0, s20;
	[sflag:s22] =	ssyncset.done $0x0  }
0xa0: {  	[sflag:s22] =	ssyncadd.s32 s4;
	_ =	sdelay $0x1  }
0xa1: {  	s23 =	simm.s32 $0x1B8B  }
0xa2: {  	_ =	swait.ge [sflag:s23], $0x1  }
0xa3: {  	[sflag:s23] =	ssyncset.done $0x0  }
0xa4: {  	s25 =	simm.s32 $0x1B8E;
	s24 =	sld [smem:$0x3FFE];
	[sflag:s23] =	ssyncadd.s32 $0xFFFFFFFF  }
0xa5: {  	s26 =	simm.s32 $execute0_lowered;
	[smem:$0x3FD2] =	sst s25  }
0xa6: {  	s5 =	sshll.u32 s26, $0x1;
	_ =	strace $0x80000046;
	[dreg:$0x1] =	wrdreg $0xFFFFFFFF  }
0xa7: {  	s28 =	simm.s32 $_size_execute0_lowered;
	s3 =	sadd.s32 s3, s5;
	[dreg:$0x0] =	wrdreg $0x0  }
0xa8: {  	s5 =	sshll.u32 s28, $0x1;
	[dreg:$0x2] =	wrdreg s3  }
0xa9: {  	[dreg:$0x3] =	wrdreg s5  }
0xaa: {  	[dreg:$0x4] =	wrdreg $0xC0  }
0xab: {  	_ =	task [dreg:s7], $0x5FFFF  }
0xac: {  	[dreg:$0x1] =	wrdreg $0xFFFFFFFF  }
0xad: {  	[dreg:$0x0] =	wrdreg $0x60  }
0xae: {  	[dreg:$0x2] =	wrdreg s2  }
0xaf: {  	[dreg:$0x3] =	wrdreg s24  }
0xb0: {  	[dreg:$0x4] =	wrdreg $0x0  }
0xb1: {  	[dreg:$0x5] =	wrdreg $0x9  }
0xb2: {  	_ =	task.clear_ibuf [dreg:s7], $0x6FFFF;
	_ =	strace $0x90000046  }
0xb3: {  	s29 =	simm.s32 $0x9;
	_ =	strace $0x80000048  }
0xb4: {  	_ =	swait.ge [sflag:s29], $0x1  }
0xb5: {  	[sflag:s29] =	ssyncadd.s32 $0xFFFFFFFF  }
0xb6: {  	_ =	strace $0x90000048  }
0xb7: {  	_ =	sfence  }
0xb8: {  	s30 =	sld [smem:$0x0];
	_ =	sdelay $0x2  }
0xb9: {  	s31 =	sshll.u32 s1, $0xD;
	s1 =	sshrl.u32 s1, $0x2  }
0xba: {  	s3 =	sand.u32 $0x4000, s31;
	s1 =	sadd.s32 s1, s30  }
0xbb: {  	s0 =	sor.u32 s3, s0;
	s1 =	sshll.u32 s1, $0x11  }
0xbc: {  	s0 =	sor.u32 s1, s0  }
0xbd: {  	s0 =	sadd.s32 $0x8F2B, s0  }
0xbe: {  	[sflag:s0] =	ssyncadd.remote.s32 $0x1  }
0xbf: {  	_ =	sfence.sel $0xFFFF  }
0xc0: {  	[dreg:$0x0] =	wrdreg $0xFFFFFFFF;
	(pc) =	sbr.abs _section_cstart, $3  }
0xc1: {  	[dreg:$0x1] =	wrdreg $0xFFFFFFFF  }
0xc2: {  	_ =	task.clear_ibuf [dreg:s7], $0x2FFFF;
	_ =	strace $0x9FFFFFFF  }
0xc3: {  	(tm) =	ssettm $0x7FFFFFFF  }
tec
execute0_lowered:
.L_overlay_start_1:
0x0: {  	(tag) =	ssettag $0x1  }
0x1: {  	s0 =	srdreg.scid  }
0x2: {  	s2 =	sand.u32 $0x1, s0  }
0x3: {  	s0 =	stileid.u32;
	s7 =	smul.u32 $0x138800, s2  }
0x4: {  	s8 =	smul.u32 $0x1400, s0  }
0x5: {  	s17 =	rddreg [dreg:$0x0];
	s1 =	smul.u32 $0x5000, s0  }
0x6: {  	s3 =	sshll.u32 s2, $0x4;
	s21 =	ssub.s32 $0x2, s2;
	s2 =	smul.u32 $0x27100, s2  }
0x7: {  	s5 =	rddreg [dreg:$0x1];
	s12 =	sor.u32 $0xF0, s0;
	s13 =	smul.u32 $0x2710, s0  }
0x8: {  	s18 =	sadd.s32 $0xB200, s5;
	s4 =	sor.u32 s0, s3;
	s15 =	smul.u32 $0x5000, s12  }
0x9: {  	s3 =	rddreg [dreg:$0x2];
	s11 =	sshrl.u32 s21, $0x1;
	s6 =	smul.u32 $0x2710, s4  }
0xa: {  	s4 =	simm.s32 $0x0;
	s7 =	sadd.s32 s8, s7;
	s22 =	ssub.s32 s21, s11  }
0xb: {  	s16 =	sshrl.u32 s1, $0x2;
	s2 =	sadd.s32 s13, s2;
	[smem:$0x7FF] =	sst s4  }
0xc: {  	s7 =	sshrl.u32 s7, $0x3;
	s19 =	sadd.s32 $0x208, s2;
	s21 =	sadd.s32 $0x1E0, s2  }
0xd: {  	_ =	strace $0x80000047;
	s9 =	sshrl.u32 s6, $0x3;
	s23 =	sadd.s32 $0x28, s6  }
0xe: {  	s24 =	sadd.s32 $0x78, s6;
	s10 =	sadd.s32 s9, s5;
	s25 =	sadd.s32 s18, s9  }
0xf: {  	s5 =	sadd.s32 s7, s5;
	s7 =	smax.u32 s22, $0x1;
	[dreg:$0x5] =	wrdreg s25  }
0x10: {  	s8 =	sshrl.u32 s23, $0x3;
	s10 =	sadd.s32 $0x1400, s10;
	[dreg:$0xc] =	wrdreg s7  }
0x11: {  	s6 =	sadd.s32 $0xC8, s6;
	s8 =	sadd.s32 s18, s8;
	[dreg:$0x4] =	wrdreg s10  }
0x12: {  	s6 =	sshrl.u32 s6, $0x3;
	s9 =	sadd.s32 $0xA, s25;
	[dreg:$0x6] =	wrdreg s8  }
0x13: {  	s1 =	sadd.s32 $0x140, s2;
	s6 =	sadd.s32 s18, s6;
	[dreg:$0x7] =	wrdreg s9  }
0x14: {  	s26 =	sshrl.u32 s24, $0x3;
	s14 =	sadd.s32 $0x1E, s25;
	[dreg:$0xa] =	wrdreg s6  }
0x15: {  	s22 =	sadd.s32 $0x1B8, s2;
	s11 =	sadd.s32 $0x15000, s5;
	[dreg:$0xb] =	wrdreg s14  }
0x16: {  	s23 =	sadd.s32 $0x190, s2;
	s8 =	sadd.s32 s18, s26;
	[dreg:$0x17] =	wrdreg s11  }
0x17: {  	s7 =	sshrl.u32 s22, $0x3;
	s10 =	sadd.s32 $0x14, s25;
	[dreg:$0x8] =	wrdreg s8  }
0x18: {  	s6 =	sshrl.u32 s15, $0x2;
	s24 =	sadd.s32 s7, s18;
	[dreg:$0x9] =	wrdreg s10  }
0x19: {  	s26 =	sadd.s32 $0x168, s2;
	s2 =	sadd.s32 $0x118, s2;
	[dreg:$0x12] =	wrdreg s24  }
0x1a: {  	s30 =	simm.s32 $0x1C480;
	s6 =	sadd.s32 s6, s3;
	[dreg:$0x16] =	wrdreg s2  }
0x1b: {  	s20 =	sshrl.u32 s19, $0x3;
	s10 =	sadd.s32 s16, s3;
	[dreg:$0xf] =	wrdreg s6  }
0x1c: {  	s8 =	sshrl.u32 s1, $0x3;
	s6 =	sadd.s32 s20, s18;
	[dreg:$0xd] =	wrdreg s10  }
0x1d: {  	s31 =	simm.s32 $0x1C700;
	s9 =	sadd.s32 s8, s18;
	[dreg:$0x10] =	wrdreg s6  }
0x1e: {  	p0 =	sgt.u32 s12, $0xF9;
	s12 =	sadd.s32 $0x28000, s10;
	[dreg:$0x15] =	wrdreg s9  }
0x1f: {  	s28 =	simm.s32 $0x1C780;
	s13 =	sadd.s32 $0x3C000, s10;
	[dreg:$0x18] =	wrdreg s12  }
0x20: {  	p1 =	sgt.u32 s0, $0x9;
	s14 =	sadd.s32 $0x50000, s10;
	[dreg:$0x19] =	wrdreg s13  }
0x21: {  	s5 =	simm.s32 $0x18880;
	s15 =	sadd.s32 $0x64000, s10;
	[dreg:$0x1a] =	wrdreg s14  }
0x22: {  	s25 =	sshrl.u32 s23, $0x3;
	s16 =	sadd.s32 $0x78000, s10;
	[dreg:$0x1b] =	wrdreg s15  }
0x23: {  	s11 =	simm.s32 $0x1C500;
	s19 =	sadd.s32 $0x8C000, s10;
	[dreg:$0x1c] =	wrdreg s16  }
0x24: {  	s7 =	sshrl.u32 s26, $0x3;
	s20 =	sadd.s32 $0xA0000, s10;
	[dreg:$0x1d] =	wrdreg s19  }
0x25: {  	s29 =	sadd.s32 $0x14000, s10;
	s22 =	sadd.s32 $0xC8000, s10;
	[dreg:$0x1e] =	wrdreg s20  }
0x26: {  	s23 =	sadd.s32 $0xDC000, s10;
	s24 =	sadd.s32 $0xF0000, s10;
	[smem:$0x7F9] =	sst s22  }
0x27: {  	s26 =	sadd.s32 $0x118000, s10;
	s8 =	simm.s32 $0x1C680;
	[smem:$0x7FA] =	sst s23  }
0x28: {  	s6 =	sshrl.u32 s21, $0x3;
	s21 =	sadd.s32 $0xB4000, s10;
	[smem:$0x7FB] =	sst s24  }
0x29: {  	[smem:$0x7FD] =	sst s26;
	s9 =	simm.s32 $0x13880;
	s12 =	simm.s32 $0x14C80  }
0x2a: {  	s13 =	simm.s32 $0x1C580;
	s19 =	simm.s32 $0x16080;
	[dreg:$0xe] =	wrdreg s29  }
0x2b: {  	s16 =	simm.s32 $0x1C600;
	s6 =	sadd.s32 s6, s18;
	[dreg:$0x1f] =	wrdreg s21  }
0x2c: {  	s20 =	simm.s32 $0x19C80;
	[dreg:$0x11] =	wrdreg s6;
	s6 =	sadd.s32 s25, s18  }
0x2d: {  	s14 =	simm.s32 $0x0;
	s25 =	sadd.s32 $0x104000, s10;
	[dreg:$0x13] =	wrdreg s6  }
0x2e: {  	s21 =	simm.s32 $0x28;
	s6 =	sadd.s32 s7, s18;
	[smem:$0x7FC] =	sst s25  }
0x2f: {  	v0 =	vimm.f32 $0.0e+00;
	s7 =	simm.s32 $0x8;
	s25 =	simm.s32 $0x17480;
	[dreg:$0x14] =	wrdreg s6  }
.LBB2_1:
0x30: {  	s26 =	sand.u32 $0x7E00, s4  }
0x31: {  	[smem:$0x7F8] =	sst s14;
	s15 =	sand.u32 $0x70, s4;
	s23 =	sshrl.u32 s26, $0x2  }
0x32: {  	s14 =	simm.s32 $0x40;
	s23 =	sor.u32 s15, s23;
	s15 =	simm.s32 $0x0  }
.LBB2_2:
0x33: {  	p2 =	sne.s32 s14, $0x4FC0  }
0x34: {  	[tilespmem:s23+$0x13880] =	vst v0;
	s15 =	sadd.s32 $0x10, s15;
	s23 =	smov.u32 s14;
	s14 =	sadd.s32 $0x40, s14  }
.Ltmp0:
0x35: {  	(pc) =	sbr.rel @p2 .LBB2_2-.Ltmp0, $4  }
0x36: {  	_ = 	snop  }
0x37: {  	s23 =	sand.u32 $0x7E00, s23  }
0x38: {  	s24 =	sand.u32 $0x70, s15;
	s23 =	sshrl.u32 s23, $0x2  }
0x39: {  	s23 =	sor.u32 s24, s23  }
0x3a: {  	[tilespmem:s23+$0x13880] =	vst v0  }
0x3b: {  	[spmem:s10] =	stream.linear.scatter [tilespmem:s9], [sflag:$0x8], $0x1400, $0x38;
	[tilespmem:$0x1EF80] =	vst v63  }
0x3c: {  	s2 =	rddreg [dreg:$0x18]  }
0x3d: {  	[spmem:s29] =	stream.linear.scatter [tilespmem:s9], [sflag:$0x8], $0x1400, $0x38;
	[tilespmem:$0x1EF80] =	vst v63  }
0x3e: {  	s24 =	rddreg [dreg:$0x19]  }
0x3f: {  	[spmem:s2] =	stream.linear.scatter [tilespmem:s9], [sflag:$0x8], $0x1400, $0x38;
	[tilespmem:$0x1EF80] =	vst v63  }
0x40: {  	s26 =	rddreg [dreg:$0x1a]  }
0x41: {  	[spmem:s24] =	stream.linear.scatter [tilespmem:s9], [sflag:$0x8], $0x1400, $0x38;
	[tilespmem:$0x1EF80] =	vst v63  }
0x42: {  	s1 =	rddreg [dreg:$0x1b]  }
0x43: {  	[spmem:s26] =	stream.linear.scatter [tilespmem:s9], [sflag:$0x8], $0x1400, $0x38;
	[tilespmem:$0x1EF80] =	vst v63  }
0x44: {  	s4 =	rddreg [dreg:$0x1c]  }
0x45: {  	[spmem:s1] =	stream.linear.scatter [tilespmem:s9], [sflag:$0x8], $0x1400, $0x38;
	[tilespmem:$0x1EF80] =	vst v63  }
0x46: {  	s6 =	rddreg [dreg:$0x1d]  }
0x47: {  	[spmem:s4] =	stream.linear.scatter [tilespmem:s9], [sflag:$0x8], $0x1400, $0x38;
	[tilespmem:$0x1EF80] =	vst v63  }
0x48: {  	s14 =	rddreg [dreg:$0x1f]  }
0x49: {  	[spmem:s6] =	stream.linear.scatter [tilespmem:s9], [sflag:$0x8], $0x1400, $0x38;
	[tilespmem:$0x1EF80] =	vst v63  }
0x4a: {  	s10 =	rddreg [dreg:$0x1e]  }
0x4b: {  	[spmem:s10] =	stream.linear.scatter [tilespmem:s9], [sflag:$0x8], $0x1400, $0x38;
	[tilespmem:$0x1EF80] =	vst v63  }
0x4c: {  	s15 =	sld [smem:$0x7F9]  }
0x4d: {  	[spmem:s14] =	stream.linear.scatter [tilespmem:s9], [sflag:$0x8], $0x1400, $0x38;
	[tilespmem:$0x1EF80] =	vst v63  }
0x4e: {  	s22 =	sld [smem:$0x7FA]  }
0x4f: {  	[spmem:s15] =	stream.linear.scatter [tilespmem:s9], [sflag:$0x8], $0x1400, $0x38;
	[tilespmem:$0x1EF80] =	vst v63  }
0x50: {  	s23 =	sld [smem:$0x7FB]  }
0x51: {  	[spmem:s22] =	stream.linear.scatter [tilespmem:s9], [sflag:$0x8], $0x1400, $0x38;
	[tilespmem:$0x1EF80] =	vst v63  }
0x52: {  	s24 =	sld [smem:$0x7FC]  }
0x53: {  	[spmem:s23] =	stream.linear.scatter [tilespmem:s9], [sflag:$0x8], $0x1400, $0x38;
	[tilespmem:$0x1EF80] =	vst v63  }
0x54: {  	s26 =	sld [smem:$0x7FD]  }
0x55: {  	[spmem:s24] =	stream.linear.scatter [tilespmem:s9], [sflag:$0x8], $0x1400, $0x38;
	[tilespmem:$0x1EF80] =	vst v63  }
0x56: {  	_ = 	snop  }
0x57: {  	[spmem:s26] =	stream.linear.scatter [tilespmem:s9], [sflag:$0x8], $0x1400, $0x38;
	[tilespmem:$0x1EF80] =	vst v63  }
0x58: {  	s2 =	rddreg [dreg:$0xf];
	s14 =	simm.s32 @!p0 $0x13880  }
0x59: {  	[spmem:s2] =	stream.linear.scatter @!p0 [tilespmem:s14], [sflag:$0x8], $0x1400, $0x38;
	[tilespmem:$0x1EF80] =	vst v63  }
0x5a: {  	_ =	swait.ge [sflag:s7], $0x1400  }
0x5b: {  	[sflag:s7] =	ssyncset.done $0x0  }
0x5c: {  	[sflag:s7] =	ssyncadd.s32 $0xFFFFEC00  }
0x5d: {  	_ =	swait.ge [sflag:s7], $0x1400  }
0x5e: {  	[sflag:s7] =	ssyncset.done $0x0  }
0x5f: {  	[sflag:s7] =	ssyncadd.s32 $0xFFFFEC00  }
0x60: {  	_ =	swait.ge [sflag:s7], $0x1400  }
0x61: {  	[sflag:s7] =	ssyncset.done $0x0  }
0x62: {  	[sflag:s7] =	ssyncadd.s32 $0xFFFFEC00  }
0x63: {  	_ =	swait.ge [sflag:s7], $0x1400  }
0x64: {  	[sflag:s7] =	ssyncset.done $0x0  }
0x65: {  	[sflag:s7] =	ssyncadd.s32 $0xFFFFEC00  }
0x66: {  	_ =	swait.ge [sflag:s7], $0x1400  }
0x67: {  	[sflag:s7] =	ssyncset.done $0x0  }
0x68: {  	[sflag:s7] =	ssyncadd.s32 $0xFFFFEC00  }
0x69: {  	_ =	swait.ge [sflag:s7], $0x1400  }
0x6a: {  	[sflag:s7] =	ssyncset.done $0x0  }
0x6b: {  	[sflag:s7] =	ssyncadd.s32 $0xFFFFEC00  }
0x6c: {  	_ =	swait.ge [sflag:s7], $0x1400  }
0x6d: {  	[sflag:s7] =	ssyncset.done $0x0  }
0x6e: {  	[sflag:s7] =	ssyncadd.s32 $0xFFFFEC00  }
0x6f: {  	_ =	swait.ge [sflag:s7], $0x1400  }
0x70: {  	[sflag:s7] =	ssyncset.done $0x0  }
0x71: {  	[sflag:s7] =	ssyncadd.s32 $0xFFFFEC00  }
0x72: {  	_ =	swait.ge [sflag:s7], $0x1400  }
0x73: {  	[sflag:s7] =	ssyncset.done $0x0  }
0x74: {  	[sflag:s7] =	ssyncadd.s32 $0xFFFFEC00  }
0x75: {  	_ =	swait.ge [sflag:s7], $0x1400  }
0x76: {  	[sflag:s7] =	ssyncset.done $0x0  }
0x77: {  	[sflag:s7] =	ssyncadd.s32 $0xFFFFEC00  }
0x78: {  	_ =	swait.ge [sflag:s7], $0x1400  }
0x79: {  	[sflag:s7] =	ssyncset.done $0x0  }
0x7a: {  	[sflag:s7] =	ssyncadd.s32 $0xFFFFEC00  }
0x7b: {  	_ =	swait.ge [sflag:s7], $0x1400  }
0x7c: {  	[sflag:s7] =	ssyncset.done $0x0  }
0x7d: {  	[sflag:s7] =	ssyncadd.s32 $0xFFFFEC00  }
0x7e: {  	_ =	swait.ge [sflag:s7], $0x1400  }
0x7f: {  	[sflag:s7] =	ssyncset.done $0x0  }
0x80: {  	[sflag:s7] =	ssyncadd.s32 $0xFFFFEC00  }
0x81: {  	_ =	swait.ge [sflag:s7], $0x1400  }
0x82: {  	[sflag:s7] =	ssyncset.done $0x0  }
0x83: {  	[sflag:s7] =	ssyncadd.s32 $0xFFFFEC00  }
0x84: {  	_ =	swait.ge [sflag:s7], $0x1400  }
0x85: {  	[sflag:s7] =	ssyncset.done $0x0  }
0x86: {  	s14 =	simm.s32 @!p1 $0x8;
	[sflag:s7] =	ssyncadd.s32 $0xFFFFEC00  }
0x87: {  	_ =	swait.ge @!p1 [sflag:s14], $0x1400  }
0x88: {  	s4 =	simm.s32 $0x16;
	s6 =	simm.s32 $0x1C800;
	[sflag:s14] =	ssyncset.done @!p1 $0x0  }
0x89: {  	s26 =	simm.s32 $0x0;
	s1 =	rddreg [dreg:$0x4];
	[sflag:s14] =	ssyncadd.s32 @!p1 $0xFFFFEC00  }
0x8a: {  	[tilespmem:s6], [sflag:$0x16] =	stream.linear.gather [hbm4b:s1+s26], $0x2710, $0x38;
	[tilespmem:$0x1EF80] =	vst v63  }
0x8b: {  	_ =	swait.ge [sflag:s4], $0x2710  }
0x8c: {  	[sflag:s4] =	ssyncset.done $0x0  }
0x8d: {  	[sflag:s4] =	ssyncadd.s32 $0xFFFFD8F0  }
0x8e: {  	[bflag:$0x0] =	sbarrier.arrive $0xFFFF  }
0x8f: {  	s7 =	rddreg [dreg:$0x5]  }
0x90: {  	[tilespmem:s30], [sflag:$0x1] =	stream.linear.gather [hbm4b:s7+s26], $0x28, $0x38;
	[tilespmem:$0x1EF80] =	vst v63  }
0x91: {  	_ = 	snop  }
0x92: {  	[tilespmem:s9], [sflag:$0x8] =	stream.indirect.gather [hbm4b:s17+s21], $0x80, s6, s21, $0xb8;
	[tilespmem:$0x1EF80] =	vst v63  }
0x93: {  	s10 =	rddreg [dreg:$0x6]  }
0x94: {  	[tilespmem:s11], [sflag:$0x2] =	stream.linear.gather [hbm4b:s10+s26], $0x28, $0x38;
	[tilespmem:$0x1EF80] =	vst v63  }
0x95: {  	s14 =	rddreg [dreg:$0x8];
	s11 =	simm.s32 $0x1C828  }
0x96: {  	[tilespmem:s12], [sflag:$0x9] =	stream.indirect.gather [hbm4b:s17+s21], $0x80, s11, s21, $0xb8;
	[tilespmem:$0x1EF80] =	vst v63  }
0x97: {  	s12 =	rddreg [dreg:$0x7]  }
0x98: {  	[tilespmem:s13], [sflag:$0x3] =	stream.linear.gather [hbm4b:s12+s26], $0x28, $0x38;
	[tilespmem:$0x1EF80] =	vst v63  }
0x99: {  	s22 =	rddreg [dreg:$0xa];
	s13 =	simm.s32 $0x1C850  }
0x9a: {  	[tilespmem:s19], [sflag:$0xA] =	stream.indirect.gather [hbm4b:s17+s21], $0x80, s13, s21, $0xb8;
	[tilespmem:$0x1EF80] =	vst v63  }
0x9b: {  	s24 =	rddreg [dreg:$0xb]  }
0x9c: {  	[tilespmem:s16], [sflag:$0x4] =	stream.linear.gather [hbm4b:s14+s26], $0x28, $0x38;
	[tilespmem:$0x1EF80] =	vst v63  }
0x9d: {  	s15 =	simm.s32 $0x1C878;
	s29 =	rddreg [dreg:$0x13]  }
0x9e: {  	[tilespmem:s25], [sflag:$0xB] =	stream.indirect.gather [hbm4b:s17+s21], $0x80, s15, s21, $0xb8;
	[tilespmem:$0x1EF80] =	vst v63  }
0x9f: {  	s16 =	rddreg [dreg:$0x9]  }
0xa0: {  	[tilespmem:s8], [sflag:$0x5] =	stream.linear.gather [hbm4b:s16+s26], $0x28, $0x38;
	[tilespmem:$0x1EF80] =	vst v63  }
0xa1: {  	s30 =	rddreg [dreg:$0x12];
	s19 =	simm.s32 $0x1C8A0  }
0xa2: {  	[tilespmem:s5], [sflag:$0xC] =	stream.indirect.gather [hbm4b:s17+s21], $0x80, s19, s21, $0xb8;
	[tilespmem:$0x1EF80] =	vst v63  }
0xa3: {  	s14 =	rddreg [dreg:$0x11]  }
0xa4: {  	[tilespmem:s31], [sflag:$0x6] =	stream.linear.gather [hbm4b:s22+s26], $0x28, $0x38;
	[tilespmem:$0x1EF80] =	vst v63  }
0xa5: {  	s23 =	simm.s32 $0x1C8C8;
	s15 =	rddreg [dreg:$0x10]  }
0xa6: {  	[tilespmem:s20], [sflag:$0xD] =	stream.indirect.gather [hbm4b:s17+s21], $0x80, s23, s21, $0xb8;
	[tilespmem:$0x1EF80] =	vst v63  }
0xa7: {  	s6 =	simm.s32 $0x1B080;
	s11 =	simm.s32 $0x6;
	s23 =	rddreg [dreg:$0x16]  }
0xa8: {  	[tilespmem:s28], [sflag:$0x7] =	stream.linear.gather [hbm4b:s24+s26], $0x28, $0x38;
	[tilespmem:$0x1EF80] =	vst v63  }
0xa9: {  	s12 =	simm.s32 $0xE;
	s25 =	simm.s32 $0x1C8F0;
	s28 =	rddreg [dreg:$0x15]  }
0xaa: {  	s16 =	simm.s32 $0x7;
	s5 =	simm.s32 $0x0;
	s24 =	rddreg [dreg:$0x14]  }
0xab: {  	[tilespmem:s6], [sflag:$0xE] =	stream.indirect.gather [hbm4b:s17+s21], $0x80, s25, s21, $0xb8;
	[tilespmem:$0x1EF80] =	vst v63  }
.LBB2_4:
0xac: {  	s1 =	simm.s32 $0x8  }
0xad: {  	_ =	swait.ge [sflag:s1], $0x1400  }
0xae: {  	[sflag:s1] =	ssyncset.done $0x0  }
0xaf: {  	s22 =	simm.s32 $0x1;
	[sflag:s1] =	ssyncadd.s32 $0xFFFFEC00  }
0xb0: {  	_ =	swait.ge [sflag:s22], $0x28  }
0xb1: {  	[sflag:s22] =	ssyncset.done $0x0  }
0xb2: {  	s13 =	simm.s32 $0x1C480;
	s2 =	simm.s32 $0x9;
	[sflag:s22] =	ssyncadd.s32 $0xFFFFFFD8  }
0xb3: {  	[spmem:s3] =	stream.indirect.scatter.add.f32 [tilespmem:s9], [sflag:$0xF], $0x80, s13, s21, $0xb8;
	[tilespmem:$0x1EF80] =	vst v63  }
0xb4: {  	_ =	swait.ge [sflag:s2], $0x1400  }
0xb5: {  	[sflag:s2] =	ssyncset.done $0x0  }
0xb6: {  	s25 =	simm.s32 $0x2;
	[sflag:s2] =	ssyncadd.s32 $0xFFFFEC00  }
0xb7: {  	_ =	swait.ge [sflag:s25], $0x28  }
0xb8: {  	s7 =	simm.s32 $0x1C500;
	[sflag:s25] =	ssyncset.done $0x0  }
0xb9: {  	s1 =	simm.s32 $0xA;
	s22 =	simm.s32 $0x14C80;
	[sflag:s25] =	ssyncadd.s32 $0xFFFFFFD8  }
0xba: {  	[spmem:s3] =	stream.indirect.scatter.add.f32 [tilespmem:s22], [sflag:$0x10], $0x80, s7, s21, $0xb8;
	[tilespmem:$0x1EF80] =	vst v63  }
0xbb: {  	_ =	swait.ge [sflag:s1], $0x1400  }
0xbc: {  	[sflag:s1] =	ssyncset.done $0x0  }
0xbd: {  	s4 =	simm.s32 $0x3;
	[sflag:s1] =	ssyncadd.s32 $0xFFFFEC00  }
0xbe: {  	_ =	swait.ge [sflag:s4], $0x28  }
0xbf: {  	s20 =	simm.s32 $0x16080;
	[sflag:s4] =	ssyncset.done $0x0  }
0xc0: {  	s8 =	simm.s32 $0xB;
	[sflag:s4] =	ssyncadd.s32 $0xFFFFFFD8;
	s4 =	simm.s32 $0x1C580  }
0xc1: {  	[spmem:s3] =	stream.indirect.scatter.add.f32 [tilespmem:s20], [sflag:$0x11], $0x80, s4, s21, $0xb8;
	[tilespmem:$0x1EF80] =	vst v63  }
0xc2: {  	_ =	swait.ge [sflag:s8], $0x1400  }
0xc3: {  	[sflag:s8] =	ssyncset.done $0x0  }
0xc4: {  	s10 =	simm.s32 $0x4;
	[sflag:s8] =	ssyncadd.s32 $0xFFFFEC00  }
0xc5: {  	_ =	swait.ge [sflag:s10], $0x28  }
0xc6: {  	s19 =	simm.s32 $0xC;
	[sflag:s10] =	ssyncset.done $0x0  }
0xc7: {  	s25 =	simm.s32 $0x1C600;
	s8 =	simm.s32 $0x17480;
	[sflag:s10] =	ssyncadd.s32 $0xFFFFFFD8  }
0xc8: {  	[spmem:s3] =	stream.indirect.scatter.add.f32 [tilespmem:s8], [sflag:$0x12], $0x80, s25, s21, $0xb8;
	[tilespmem:$0x1EF80] =	vst v63  }
0xc9: {  	_ =	swait.ge [sflag:s19], $0x1400  }
0xca: {  	[sflag:s19] =	ssyncset.done $0x0  }
0xcb: {  	s1 =	simm.s32 $0x5;
	[sflag:s19] =	ssyncadd.s32 $0xFFFFEC00  }
0xcc: {  	_ =	swait.ge [sflag:s1], $0x28  }
0xcd: {  	s2 =	simm.s32 $0xD;
	[sflag:s1] =	ssyncset.done $0x0  }
0xce: {  	s10 =	simm.s32 $0x18880;
	s19 =	simm.s32 $0x1C680;
	[sflag:s1] =	ssyncadd.s32 $0xFFFFFFD8  }
0xcf: {  	[spmem:s3] =	stream.indirect.scatter.add.f32 [tilespmem:s10], [sflag:$0x13], $0x80, s19, s21, $0xb8;
	[tilespmem:$0x1EF80] =	vst v63  }
0xd0: {  	_ =	swait.ge [sflag:s2], $0x1400  }
0xd1: {  	[sflag:s2] =	ssyncset.done $0x0  }
0xd2: {  	[sflag:s2] =	ssyncadd.s32 $0xFFFFEC00  }
0xd3: {  	_ =	swait.ge [sflag:s11], $0x28  }
0xd4: {  	[sflag:s11] =	ssyncset.done $0x0  }
0xd5: {  	s2 =	simm.s32 $0x19C80;
	[sflag:s11] =	ssyncadd.s32 $0xFFFFFFD8  }
0xd6: {  	[spmem:s3] =	stream.indirect.scatter.add.f32 [tilespmem:s2], [sflag:$0x14], $0x80, s31, s21, $0xb8;
	[tilespmem:$0x1EF80] =	vst v63  }
0xd7: {  	_ =	swait.ge [sflag:s12], $0x1400  }
0xd8: {  	[sflag:s12] =	ssyncset.done $0x0  }
0xd9: {  	[sflag:s12] =	ssyncadd.s32 $0xFFFFEC00  }
0xda: {  	_ =	swait.ge [sflag:s16], $0x28  }
0xdb: {  	[sflag:s16] =	ssyncset.done $0x0  }
0xdc: {  	s2 =	simm.s32 $0x1C780;
	[sflag:s16] =	ssyncadd.s32 $0xFFFFFFD8  }
0xdd: {  	[spmem:s3] =	stream.indirect.scatter.add.f32 [tilespmem:s6], [sflag:$0x15], $0x80, s2, s21, $0xb8;
	[tilespmem:$0x1EF80] =	vst v63  }
0xde: {  	s6 =	simm.s32 $0xF  }
0xdf: {  	_ =	swait.ge [sflag:s6], $0x1400  }
0xe0: {  	s31 =	sshrl.u32 s23, $0x3;
	[sflag:s6] =	ssyncset.done $0x0  }
0xe1: {  	s31 =	sadd.s32 s18, s31;
	[sflag:s6] =	ssyncadd.s32 $0xFFFFEC00  }
0xe2: {  	[tilespmem:s13], [sflag:$0x1] =	stream.linear.gather [hbm4b:s31+s5], $0x28, $0x38;
	[tilespmem:$0x1EF80] =	vst v63  }
0xe3: {  	s31 =	sshra.s32 s26, $0x2  }
0xe4: {  	s6 =	simm.s32 $0x10;
	s13 =	sadd.s32 $0x1C918, s31  }
0xe5: {  	[tilespmem:s9], [sflag:$0x8] =	stream.indirect.gather [hbm4b:s17+s21], $0x80, s13, s21, $0xb8;
	[tilespmem:$0x1EF80] =	vst v63  }
0xe6: {  	_ =	swait.ge [sflag:s6], $0x1400  }
0xe7: {  	[sflag:s6] =	ssyncset.done $0x0  }
0xe8: {  	[sflag:s6] =	ssyncadd.s32 $0xFFFFEC00  }
0xe9: {  	[tilespmem:s7], [sflag:$0x2] =	stream.linear.gather [hbm4b:s28+s5], $0x28, $0x38;
	[tilespmem:$0x1EF80] =	vst v63  }
0xea: {  	s9 =	sadd.s32 $0x1C940, s31;
	s6 =	simm.s32 $0x11  }
0xeb: {  	[tilespmem:s22], [sflag:$0x9] =	stream.indirect.gather [hbm4b:s17+s21], $0x80, s9, s21, $0xb8;
	[tilespmem:$0x1EF80] =	vst v63  }
0xec: {  	_ =	swait.ge [sflag:s6], $0x1400  }
0xed: {  	[sflag:s6] =	ssyncset.done $0x0  }
0xee: {  	[sflag:s6] =	ssyncadd.s32 $0xFFFFEC00  }
0xef: {  	[tilespmem:s4], [sflag:$0x3] =	stream.linear.gather [hbm4b:s24+s5], $0x28, $0x38;
	[tilespmem:$0x1EF80] =	vst v63  }
0xf0: {  	s9 =	sadd.s32 $0x1C968, s31  }
0xf1: {  	[tilespmem:s20], [sflag:$0xA] =	stream.indirect.gather [hbm4b:s17+s21], $0x80, s9, s21, $0xb8;
	[tilespmem:$0x1EF80] =	vst v63  }
0xf2: {  	s20 =	simm.s32 $0x12  }
0xf3: {  	_ =	swait.ge [sflag:s20], $0x1400  }
0xf4: {  	[sflag:s20] =	ssyncset.done $0x0  }
0xf5: {  	[sflag:s20] =	ssyncadd.s32 $0xFFFFEC00  }
0xf6: {  	[tilespmem:s25], [sflag:$0x4] =	stream.linear.gather [hbm4b:s29+s5], $0x28, $0x38;
	[tilespmem:$0x1EF80] =	vst v63  }
0xf7: {  	s6 =	sadd.s32 $0x1C990, s31  }
0xf8: {  	[tilespmem:s8], [sflag:$0xB] =	stream.indirect.gather [hbm4b:s17+s21], $0x80, s6, s21, $0xb8;
	[tilespmem:$0x1EF80] =	vst v63  }
0xf9: {  	p2 =	seq.s32 s26, $0x94C0;
	s1 =	simm.s32 $0x1C480;
	s8 =	simm.s32 $0x13  }
0xfa: {  	s23 =	sadd.s32 @!p2 $0x118, s23;
	s2 =	simm.s32 @!p2 $0x14;
	_ =	swait.ge [sflag:s8], $0x1400  }
0xfb: {  	s13 =	simm.s32 $0x1C500;
	s7 =	simm.s32 $0x14C80;
	[sflag:s8] =	ssyncset.done $0x0  }
0xfc: {  	s28 =	sadd.s32 @!p2 $0x23, s28;
	s22 =	simm.s32 $0x1C580;
	[sflag:s8] =	ssyncadd.s32 $0xFFFFEC00  }
0xfd: {  	[tilespmem:s19], [sflag:$0x5] =	stream.linear.gather [hbm4b:s30+s5], $0x28, $0x38;
	[tilespmem:$0x1EF80] =	vst v63  }
0xfe: {  	s4 =	simm.s32 $0x16080;
	s24 =	sadd.s32 @!p2 $0x23, s24;
	s9 =	sadd.s32 $0x1C9B8, s31  }
0xff: {  	[tilespmem:s10], [sflag:$0xC] =	stream.indirect.gather [hbm4b:s17+s21], $0x80, s9, s21, $0xb8;
	[tilespmem:$0x1EF80] =	vst v63  }
0x100: {  	s31 =	simm.s32 @!p2 $0x1C700;
	s20 =	simm.s32 $0x1C600;
	_ =	swait.ge @!p2 [sflag:s2], $0x1400  }
0x101: {  	s25 =	simm.s32 $0x17480;
	s29 =	sadd.s32 @!p2 $0x23, s29;
	[sflag:s2] =	ssyncset.done @!p2 $0x0  }
0x102: {  	s8 =	simm.s32 $0x1C680;
	[sflag:s2] =	ssyncadd.s32 @!p2 $0xFFFFEC00;
	s2 =	simm.s32 @!p2 $0x0  }
0x103: {  	[tilespmem:s31], [sflag:$0x6] =	stream.linear.gather @!p2 [hbm4b:s14+s2], $0x28, $0x38;
	[tilespmem:$0x1EF80] =	vst v63  }
0x104: {  	s19 =	simm.s32 $0x18880;
	s9 =	simm.s32 @!p2 $0x28;
	s31 =	sshra.s32 @!p2 s26, $0x2  }
0x105: {  	s10 =	smov.u32 s18;
	s18 =	simm.s32 @!p2 $0x19C80;
	s6 =	sadd.s32 @!p2 $0x1C9E0, s31  }
0x106: {  	[tilespmem:s18], [sflag:$0xD] =	stream.indirect.gather @!p2 [hbm4b:s17+s9], $0x80, s6, s9, $0xb8;
	[tilespmem:$0x1EF80] =	vst v63  }
0x107: {  	s30 =	sadd.s32 @!p2 $0x23, s30;
	s26 =	sadd.s32 @!p2 $0x460, s26;
	s6 =	simm.s32 @!p2 $0x15  }
0x108: {  	s14 =	sadd.s32 @!p2 $0x23, s14;
	p3 =	sne.s32 @!p2 s26, $0x9920;
	_ =	swait.ge @!p2 [sflag:s6], $0x1400  }
0x109: {  	s18 =	smov.u32 s10;
	p3 =	por p2, !p3;
	[sflag:s6] =	ssyncset.done @!p2 $0x0  }
.Ltmp1:
0x10a: {  	[sflag:s6] =	ssyncadd.s32 @!p2 $0xFFFFEC00;
	s6 =	simm.s32 @!p2 $0x1C780;
	(pc) =	sbr.rel @!p3 .LBB2_4-.Ltmp1, $4  }
0x10b: {  	[tilespmem:s6], [sflag:$0x7] =	stream.linear.gather @!p2 [hbm4b:s15+s2], $0x28, $0x38;
	[tilespmem:$0x1EF80] =	vst v63  }
0x10c: {  	s2 =	sadd.s32 @!p2 $0x1CA08, s31;
	s31 =	simm.s32 $0x1C700;
	s6 =	simm.s32 @!p2 $0x1B080  }
0x10d: {  	[tilespmem:s6], [sflag:$0xE] =	stream.indirect.gather @!p2 [hbm4b:s17+s9], $0x80, s2, s9, $0xb8;
	[tilespmem:$0x1EF80] =	vst v63  }
0x10e: {  	s15 =	sadd.s32 @!p2 $0x23, s15;
	s6 =	simm.s32 $0x1B080;
	s9 =	simm.s32 $0x13880  }
0x10f: {  	s2 =	simm.s32 $0x8  }
0x110: {  	_ =	swait.ge [sflag:s2], $0x1400  }
0x111: {  	[sflag:s2] =	ssyncset.done $0x0  }
0x112: {  	s26 =	simm.s32 $0x1;
	[sflag:s2] =	ssyncadd.s32 $0xFFFFEC00  }
0x113: {  	_ =	swait.ge [sflag:s26], $0x28  }
0x114: {  	[sflag:s26] =	ssyncset.done $0x0  }
0x115: {  	s5 =	simm.s32 $0x9;
	[sflag:s26] =	ssyncadd.s32 $0xFFFFFFD8  }
0x116: {  	[spmem:s3] =	stream.indirect.scatter.add.f32 [tilespmem:s9], [sflag:$0xF], $0x80, s1, s21, $0xb8;
	[tilespmem:$0x1EF80] =	vst v63  }
0x117: {  	_ =	swait.ge [sflag:s5], $0x1400  }
0x118: {  	[sflag:s5] =	ssyncset.done $0x0  }
0x119: {  	s6 =	simm.s32 $0x2;
	[sflag:s5] =	ssyncadd.s32 $0xFFFFEC00  }
0x11a: {  	_ =	swait.ge [sflag:s6], $0x28  }
0x11b: {  	[sflag:s6] =	ssyncset.done $0x0  }
0x11c: {  	s10 =	simm.s32 $0xA;
	[sflag:s6] =	ssyncadd.s32 $0xFFFFFFD8  }
0x11d: {  	[spmem:s3] =	stream.indirect.scatter.add.f32 [tilespmem:s7], [sflag:$0x10], $0x80, s13, s21, $0xb8;
	[tilespmem:$0x1EF80] =	vst v63  }
0x11e: {  	_ =	swait.ge [sflag:s10], $0x1400  }
0x11f: {  	[sflag:s10] =	ssyncset.done $0x0  }
0x120: {  	s11 =	simm.s32 $0x3;
	[sflag:s10] =	ssyncadd.s32 $0xFFFFEC00  }
0x121: {  	_ =	swait.ge [sflag:s11], $0x28  }
0x122: {  	[sflag:s11] =	ssyncset.done $0x0  }
0x123: {  	s12 =	simm.s32 $0xB;
	[sflag:s11] =	ssyncadd.s32 $0xFFFFFFD8  }
0x124: {  	[spmem:s3] =	stream.indirect.scatter.add.f32 [tilespmem:s4], [sflag:$0x11], $0x80, s22, s21, $0xb8;
	[tilespmem:$0x1EF80] =	vst v63  }
0x125: {  	_ =	swait.ge [sflag:s12], $0x1400  }
0x126: {  	[sflag:s12] =	ssyncset.done $0x0  }
0x127: {  	s13 =	simm.s32 $0x4;
	[sflag:s12] =	ssyncadd.s32 $0xFFFFEC00  }
0x128: {  	_ =	swait.ge [sflag:s13], $0x28  }
0x129: {  	[sflag:s13] =	ssyncset.done $0x0  }
0x12a: {  	s14 =	simm.s32 $0xC;
	[sflag:s13] =	ssyncadd.s32 $0xFFFFFFD8  }
0x12b: {  	[spmem:s3] =	stream.indirect.scatter.add.f32 [tilespmem:s25], [sflag:$0x12], $0x80, s20, s21, $0xb8;
	[tilespmem:$0x1EF80] =	vst v63  }
0x12c: {  	_ =	swait.ge [sflag:s14], $0x1400  }
0x12d: {  	[sflag:s14] =	ssyncset.done $0x0  }
0x12e: {  	s15 =	simm.s32 $0x5;
	[sflag:s14] =	ssyncadd.s32 $0xFFFFEC00  }
0x12f: {  	_ =	swait.ge [sflag:s15], $0x28  }
0x130: {  	[sflag:s15] =	ssyncset.done $0x0  }
0x131: {  	s16 =	simm.s32 $0xF;
	[sflag:s15] =	ssyncadd.s32 $0xFFFFFFD8  }
0x132: {  	[spmem:s3] =	stream.indirect.scatter.add.f32 [tilespmem:s19], [sflag:$0x13], $0x80, s8, s21, $0xb8;
	[tilespmem:$0x1EF80] =	vst v63  }
0x133: {  	_ =	swait.ge [sflag:s16], $0x1400  }
0x134: {  	[sflag:s16] =	ssyncset.done $0x0  }
0x135: {  	s19 =	simm.s32 $0x10;
	[sflag:s16] =	ssyncadd.s32 $0xFFFFEC00  }
0x136: {  	_ =	swait.ge [sflag:s19], $0x1400  }
0x137: {  	[sflag:s19] =	ssyncset.done $0x0  }
0x138: {  	s20 =	simm.s32 $0x11;
	[sflag:s19] =	ssyncadd.s32 $0xFFFFEC00  }
0x139: {  	_ =	swait.ge [sflag:s20], $0x1400  }
0x13a: {  	[sflag:s20] =	ssyncset.done $0x0  }
0x13b: {  	s22 =	simm.s32 $0x12;
	[sflag:s20] =	ssyncadd.s32 $0xFFFFEC00  }
0x13c: {  	_ =	swait.ge [sflag:s22], $0x1400  }
0x13d: {  	[sflag:s22] =	ssyncset.done $0x0  }
0x13e: {  	s23 =	simm.s32 $0x13;
	[sflag:s22] =	ssyncadd.s32 $0xFFFFEC00  }
0x13f: {  	_ =	swait.ge [sflag:s23], $0x1400  }
0x140: {  	[sflag:s23] =	ssyncset.done $0x0  }
0x141: {  	s24 =	simm.s32 $0x14;
	[sflag:s23] =	ssyncadd.s32 $0xFFFFEC00  }
0x142: {  	_ =	swait.ge [sflag:s24], $0x1400  }
0x143: {  	s26 =	sadd.s32 $0x0, s0;
	[sflag:s24] =	ssyncset.done $0x0  }
0x144: {  	p2 =	sgt.u32 s26, $0xF9;
	s25 =	simm.s32 $0x15;
	[sflag:s24] =	ssyncadd.s32 $0xFFFFEC00  }
0x145: {  	s2 =	sshll.u32 @!p2 s0, $0x6;
	_ =	swait.ge [sflag:s25], $0x1400  }
0x146: {  	s30 =	simm.s32 $0x1C480;
	s26 =	sor.u32 @!p2 $0x1C08, s2;
	[sflag:s25] =	ssyncset.done $0x0  }
0x147: {  	s5 =	simm.s32 $0x18880;
	s7 =	simm.s32 $0x8;
	[sflag:s25] =	ssyncadd.s32 $0xFFFFEC00  }
0x148: {  	s11 =	simm.s32 $0x1C500;
	s12 =	simm.s32 $0x14C80;
	[bflag:$0x0] =	sbarrier.arrive $0xFFFF  }
0x149: {  	s13 =	simm.s32 $0x1C580;
	s14 =	simm.s32 $0x10;
	s10 =	rddreg [dreg:$0xd]  }
0x14a: {  	s8 =	simm.s32 $0x1C680;
	s16 =	simm.s32 $0x1C600;
	s24 =	rddreg [dreg:$0x17]  }
0x14b: {  	s19 =	simm.s32 $0x16080;
	s25 =	simm.s32 $0x17480;
	s29 =	rddreg [dreg:$0xe]  }
0x14c: {  	s28 =	sshrl.u32 @!p2 s10, $0x3;
	s15 =	sadd.s32 $0x2800, s24;
	s23 =	smov.u32 s29  }
.LBB2_6:
0x14d: {  	[hbm:s24], [sflag:s26] =	dma.local @!p2 [spmem:s28], $0x280  }
0x14e: {  	s2 =	smov.u32 s14;
	s14 =	sadd.s32 $0x10, s14  }
0x14f: {  	p3 =	sne.s32 s14, $0x100  }
.Ltmp2:
0x150: {  	(pc) =	sbr.rel @p3 .LBB2_6-.Ltmp2, $4  }
0x151: {  	s6 =	smov.u32 s23;
	s2 =	sadd.s32 s2, s0  }
0x152: {  	s24 =	smov.u32 s15;
	p2 =	sgt.u32 s2, $0xF9  }
0x153: {  	s23 =	sadd.s32 $0x14000, s23;
	s2 =	sshll.u32 @!p2 s0, $0x6  }
0x154: {  	s15 =	sadd.s32 $0x2800, s15;
	s28 =	sshrl.u32 @!p2 s6, $0x3;
	s26 =	sor.u32 @!p2 $0x1C08, s2  }
0x155: {  	[hbm:s24], [sflag:s26] =	dma.local @!p2 [spmem:s28], $0x280  }
0x156: {  	_ =	swait.ge [sflag:s7], $0x280  }
0x157: {  	[sflag:s7] =	ssyncset.done $0x0  }
0x158: {  	[sflag:s7] =	ssyncadd.s32 $0xFFFFFD80  }
0x159: {  	_ =	swait.ge [sflag:s7], $0x280  }
0x15a: {  	[sflag:s7] =	ssyncset.done $0x0  }
0x15b: {  	[sflag:s7] =	ssyncadd.s32 $0xFFFFFD80  }
0x15c: {  	_ =	swait.ge [sflag:s7], $0x280  }
0x15d: {  	[sflag:s7] =	ssyncset.done $0x0  }
0x15e: {  	[sflag:s7] =	ssyncadd.s32 $0xFFFFFD80  }
0x15f: {  	_ =	swait.ge [sflag:s7], $0x280  }
0x160: {  	[sflag:s7] =	ssyncset.done $0x0  }
0x161: {  	[sflag:s7] =	ssyncadd.s32 $0xFFFFFD80  }
0x162: {  	_ =	swait.ge [sflag:s7], $0x280  }
0x163: {  	[sflag:s7] =	ssyncset.done $0x0  }
0x164: {  	[sflag:s7] =	ssyncadd.s32 $0xFFFFFD80  }
0x165: {  	_ =	swait.ge [sflag:s7], $0x280  }
0x166: {  	[sflag:s7] =	ssyncset.done $0x0  }
0x167: {  	[sflag:s7] =	ssyncadd.s32 $0xFFFFFD80  }
0x168: {  	_ =	swait.ge [sflag:s7], $0x280  }
0x169: {  	[sflag:s7] =	ssyncset.done $0x0  }
0x16a: {  	[sflag:s7] =	ssyncadd.s32 $0xFFFFFD80  }
0x16b: {  	_ =	swait.ge [sflag:s7], $0x280  }
0x16c: {  	[sflag:s7] =	ssyncset.done $0x0  }
0x16d: {  	[sflag:s7] =	ssyncadd.s32 $0xFFFFFD80  }
0x16e: {  	_ =	swait.ge [sflag:s7], $0x280  }
0x16f: {  	[sflag:s7] =	ssyncset.done $0x0  }
0x170: {  	[sflag:s7] =	ssyncadd.s32 $0xFFFFFD80  }
0x171: {  	_ =	swait.ge [sflag:s7], $0x280  }
0x172: {  	[sflag:s7] =	ssyncset.done $0x0  }
0x173: {  	[sflag:s7] =	ssyncadd.s32 $0xFFFFFD80  }
0x174: {  	_ =	swait.ge [sflag:s7], $0x280  }
0x175: {  	[sflag:s7] =	ssyncset.done $0x0  }
0x176: {  	[sflag:s7] =	ssyncadd.s32 $0xFFFFFD80  }
0x177: {  	_ =	swait.ge [sflag:s7], $0x280  }
0x178: {  	[sflag:s7] =	ssyncset.done $0x0  }
0x179: {  	[sflag:s7] =	ssyncadd.s32 $0xFFFFFD80  }
0x17a: {  	_ =	swait.ge [sflag:s7], $0x280  }
0x17b: {  	[sflag:s7] =	ssyncset.done $0x0  }
0x17c: {  	[sflag:s7] =	ssyncadd.s32 $0xFFFFFD80  }
0x17d: {  	_ =	swait.ge [sflag:s7], $0x280  }
0x17e: {  	[sflag:s7] =	ssyncset.done $0x0  }
0x17f: {  	[sflag:s7] =	ssyncadd.s32 $0xFFFFFD80  }
0x180: {  	_ =	swait.ge [sflag:s7], $0x280  }
0x181: {  	[sflag:s7] =	ssyncset.done $0x0  }
0x182: {  	s2 =	simm.s32 @!p1 $0x8;
	[sflag:s7] =	ssyncadd.s32 $0xFFFFFD80  }
0x183: {  	_ =	swait.ge @!p1 [sflag:s2], $0x280  }
0x184: {  	s14 =	sld [smem:$0x7F8];
	_ =	sdelay $0x2  }
0x185: {  	s6 =	rddreg [dreg:$0xc];
	s14 =	sadd.s32 $0x1, s14  }
0x186: {  	p2 =	sne.s32 s14, s6  }
.Ltmp3:
0x187: {  	_ = 	snop;
	(pc) =	sbr.rel @p2 .LBB2_1-.Ltmp3, $3  }
0x188: {  	_ =	sdelay $0x1  }
0x189: {  	s20 =	simm.s32 $0x19C80;
	[sflag:s2] =	ssyncset.done @!p1 $0x0  }
0x18a: {  	s28 =	simm.s32 $0x1C780;
	s4 =	simm.s32 $0x0;
	[sflag:s2] =	ssyncadd.s32 @!p1 $0xFFFFFD80  }
0x18b: {  	_ =	sfence.sel $0x180000  }
0x18c: {  	[bflag:$0x0] =	sbarrier.arrive $0xFFFF  }
0x18d: {  	_ =	strace $0x90000047  }
0x18e: {  	[bflag:$0x2] =	sbarrier.arrive $0xFFFF  }
0x18f: {  	p0 =	sne.s32 s0, $0x0;
	s0 =	rddreg [dreg:$0x3]  }
0x190: {  	s0 =	sadd.s32 @!p0 $0x100000, s0  }
0x191: {  	[sflag:s0] =	ssyncadd.tile.s32 @!p0 $0x1;
	_ =	shalt  }
.Lfunc_end2:
_tile_overlayer_lowered:
.L_overlay_start_2:
0x192: {  	(tag) =	ssettag $0x2  }
0x193: {  	s0 =	rddreg [dreg:$0x0];
	s2 =	stileid.u32  }
0x194: {  	s1 =	rddreg [dreg:$0x1];
	p0 =	sne.s32 s2, $0x0  }
0x195: {  	s3 =	rddreg [dreg:$0x2];
	[bflag:$0x3] =	sbarrier.arrive $0xFFFF;
	s2 =	simm.s32 @!p0 $0x1C16  }
0x196: {  	[timem:s3], [sflag:s2] =	dma.local @!p0 [hbm:s0], s1  }
0x197: {  	s0 =	simm.s32 @!p0 $0x16  }
0x198: {  	_ =	swait.ge @!p0 [sflag:s0], s1  }
0x199: {  	s1 =	ssub.s32 @!p0 $0x0, s1;
	[sflag:s0] =	ssyncset.done @!p0 $0x0  }
0x19a: {  	[sflag:s0] =	ssyncadd.s32 @!p0 s1  }
0x19b: {  	[bflag:$0x3] =	sbarrier.arrive $0xFFFF  }
0x19c: {  	_ =	shalt  }

</sc_bundles>
